<compile_context>
chip_gen: v7x
topology: tpu7x:2x2x1
jax: 0.10.2.dev20260603
libtpu: 0.0.44.dev20260713+nightly
codegen_flags: <defaults>
</compile_context>

<pallas_src>
import functools

import jax
import jax.numpy as jnp
from jax import lax
from jax.experimental import pallas as pl
from jax.experimental.pallas import tpu as pltpu
from jax.experimental.pallas import tpu_sc as plsc

N = 10000
D = 128
E = 320000
HEADS = 4
ATT = 128
CLS = 128
NUM_CLASSES = 7

TILES = 32
CHUNK = 128
NCHUNK = 79
EPT = NCHUNK * CHUNK
EPAD = TILES * EPT
ACC_ROWS = 10240
ROW_BLK = 2000
GRID = N // ROW_BLK

_HI = jax.lax.Precision.HIGHEST


def _segsum_body(h_hbm, src_hbm, dst_hbm, out_hbm,
                 src_t, dst_t, rows, acc, gsem):
    cid = lax.axis_index("c")
    sid = lax.axis_index("s")
    wid = cid * 16 + sid

    def _zrow(i, carry):
        for c8 in range(D // 16):
            rows[i, pl.ds(c8 * 16, 16)] = jnp.zeros((16,), jnp.float32)
        return carry
    lax.fori_loop(0, CHUNK, _zrow, 0)

    def _zchunk(k, carry):
        pltpu.sync_copy(rows, acc.at[pl.ds((sid * 5 + k) * CHUNK, CHUNK)])
        return carry
    lax.fori_loop(0, ACC_ROWS // CHUNK // 16, _zchunk, 0)

    pltpu.sync_copy(src_hbm.at[wid], src_t)
    pltpu.sync_copy(dst_hbm.at[wid], dst_t)

    plsc.subcore_barrier()

    def _step(j, carry):
        pltpu.async_copy(h_hbm.at[src_t.at[j]], rows, gsem).wait()
        pltpu.sync_copy(rows, acc.at[dst_t.at[j]], add=True)
        return carry
    lax.fori_loop(0, NCHUNK, _step, 0)

    plsc.subcore_barrier()

    def _ochunk(k, carry):
        r0 = (sid * 5 + k) * CHUNK
        pltpu.sync_copy(acc.at[pl.ds(r0, CHUNK)], rows)
        pltpu.sync_copy(rows, out_hbm.at[cid, pl.ds(r0, CHUNK)])
        return carry
    lax.fori_loop(0, ACC_ROWS // CHUNK // 16, _ochunk, 0)


_segsum = functools.partial(
    pl.kernel,
    out_type=jax.ShapeDtypeStruct((2, ACC_ROWS, D), jnp.float32),
    mesh=plsc.VectorSubcoreMesh(core_axis_name="c", subcore_axis_name="s"),
    scratch_types=[
        pltpu.VMEM((NCHUNK, CHUNK), jnp.int32),
        pltpu.VMEM((NCHUNK, CHUNK), jnp.int32),
        pltpu.VMEM((CHUNK, D), jnp.float32),
        pltpu.VMEM_SHARED((ACC_ROWS, D), jnp.float32),
        pltpu.SemaphoreType.DMA,
    ],
)(_segsum_body)


def _ln(v, w, b, eps=1e-5):
    mu = jnp.mean(v, axis=-1, keepdims=True)
    var = jnp.mean((v - mu) ** 2, axis=-1, keepdims=True)
    return (v - mu) * jax.lax.rsqrt(var + eps) * w + b


def _gin_body(sc_ref, h_ref, a0_ref, a1_ref,
              w1_ref, b1_ref, g1_ref, e1_ref,
              w2_ref, b2_ref, g2_ref, e2_ref, o_ref):
    h = h_ref[...]
    z = sc_ref[0, 0] * h + a0_ref[0] + a1_ref[0]
    z = jnp.dot(z, w1_ref[...], precision=_HI) + b1_ref[...]
    z = jnp.maximum(_ln(z, g1_ref[...], e1_ref[...]), 0.0)
    z = jnp.dot(z, w2_ref[...], precision=_HI) + b2_ref[...]
    z = jnp.maximum(_ln(z, g2_ref[...], e2_ref[...]), 0.0)
    o_ref[...] = z + h


def _gin_dense(scale, h, agg, p, ln_w, ln_b):
    full = lambda s: pl.BlockSpec(s, lambda i: (0, 0))
    return pl.pallas_call(
        _gin_body,
        grid=(GRID,),
        in_specs=[
            full((1, 1)),
            pl.BlockSpec((ROW_BLK, D), lambda i: (i, 0)),
            pl.BlockSpec((1, ROW_BLK, D), lambda i: (0, i, 0)),
            pl.BlockSpec((1, ROW_BLK, D), lambda i: (1, i, 0)),
            full((D, D)), full((1, D)), full((1, D)), full((1, D)),
            full((D, D)), full((1, D)), full((1, D)), full((1, D)),
        ],
        out_specs=pl.BlockSpec((ROW_BLK, D), lambda i: (i, 0)),
        out_shape=jax.ShapeDtypeStruct((N, D), jnp.float32),
    )(scale, h, agg, agg,
      p['W1'], p['b1'].reshape(1, D), p['ln1_w'].reshape(1, D),
      p['ln1_b'].reshape(1, D),
      p['W2'], p['b2'].reshape(1, D), ln_w.reshape(1, D), ln_b.reshape(1, D))


def _gin_score_body(sc_ref, h_ref, a0_ref, a1_ref,
                    w1_ref, b1_ref, g1_ref, e1_ref,
                    w2_ref, b2_ref, g2_ref, e2_ref,
                    aw1_ref, ab1_ref, aw2_ref, ab2_ref,
                    o_ref, s_ref):
    h = h_ref[...]
    z = sc_ref[0, 0] * h + a0_ref[0] + a1_ref[0]
    z = jnp.dot(z, w1_ref[...], precision=_HI) + b1_ref[...]
    z = jnp.maximum(_ln(z, g1_ref[...], e1_ref[...]), 0.0)
    z = jnp.dot(z, w2_ref[...], precision=_HI) + b2_ref[...]
    z = jnp.maximum(_ln(z, g2_ref[...], e2_ref[...]), 0.0)
    h2 = z + h
    o_ref[...] = h2
    t = jnp.tanh(jnp.dot(h2, aw1_ref[...], precision=_HI) + ab1_ref[...])
    tr = t.reshape(ROW_BLK, HEADS, ATT)
    s_ref[...] = jnp.sum(tr * aw2_ref[...][None], axis=-1) + ab2_ref[...]


def _gin_dense_scores(scale, h, agg, p, ln_w, ln_b, w1c, b1c, w2c, b2c):
    full = lambda s: pl.BlockSpec(s, lambda i: (0, 0))
    return pl.pallas_call(
        _gin_score_body,
        grid=(GRID,),
        in_specs=[
            full((1, 1)),
            pl.BlockSpec((ROW_BLK, D), lambda i: (i, 0)),
            pl.BlockSpec((1, ROW_BLK, D), lambda i: (0, i, 0)),
            pl.BlockSpec((1, ROW_BLK, D), lambda i: (1, i, 0)),
            full((D, D)), full((1, D)), full((1, D)), full((1, D)),
            full((D, D)), full((1, D)), full((1, D)), full((1, D)),
            full((D, HEADS * ATT)), full((1, HEADS * ATT)),
            full((HEADS, ATT)), full((1, HEADS)),
        ],
        out_specs=[
            pl.BlockSpec((ROW_BLK, D), lambda i: (i, 0)),
            pl.BlockSpec((ROW_BLK, HEADS), lambda i: (i, 0)),
        ],
        out_shape=[
            jax.ShapeDtypeStruct((N, D), jnp.float32),
            jax.ShapeDtypeStruct((N, HEADS), jnp.float32),
        ],
    )(scale, h, agg, agg,
      p['W1'], p['b1'].reshape(1, D), p['ln1_w'].reshape(1, D),
      p['ln1_b'].reshape(1, D),
      p['W2'], p['b2'].reshape(1, D), ln_w.reshape(1, D), ln_b.reshape(1, D),
      w1c, b1c, w2c, b2c)


def _pool_body(s_ref, h_ref,
               w1_ref, b1_ref, g1_ref, e1_ref,
               w2_ref, b2_ref, g2_ref, e2_ref,
               w3_ref, b3_ref,
               att_ref, probs_ref, u_ref, ml_ref):
    i = pl.program_id(0)

    @pl.when(i == 0)
    def _init():
        s = s_ref[...]
        m = jnp.max(s, axis=0, keepdims=True)
        l = jnp.sum(jnp.exp(s - m), axis=0, keepdims=True)
        ml_ref[0:1, :] = m
        ml_ref[1:2, :] = l
        u_ref[...] = jnp.zeros_like(u_ref)

    m = ml_ref[0:1, :]
    l = ml_ref[1:2, :]
    e = jnp.exp(s_ref[pl.ds(i * ROW_BLK, ROW_BLK), :] - m)
    att_ref[...] = e / l
    u_ref[...] += lax.dot_general(e, h_ref[...], (((0,), (0,)), ((), ())),
                                  precision=_HI)

    @pl.when(i == pl.num_programs(0) - 1)
    def _final():
        recip = (1.0 / HEADS) / l
        z = jnp.dot(recip, u_ref[...], precision=_HI)
        t = jnp.dot(z, w1_ref[...], precision=_HI) + b1_ref[...]
        t = jnp.maximum(_ln(t, g1_ref[...], e1_ref[...]), 0.0)
        t = jnp.dot(t, w2_ref[...], precision=_HI) + b2_ref[...]
        t = jnp.maximum(_ln(t, g2_ref[...], e2_ref[...]), 0.0)
        lg = jnp.dot(t, w3_ref[...], precision=_HI) + b3_ref[...]
        mm = jnp.max(lg, axis=-1, keepdims=True)
        p = jnp.exp(lg - mm)
        probs_ref[...] = p / jnp.sum(p, axis=-1, keepdims=True)


def _pool_cls(s, h, c):
    full = lambda shape: pl.BlockSpec(shape, lambda i: (0, 0))
    return pl.pallas_call(
        _pool_body,
        grid=(GRID,),
        in_specs=[
            full((N, HEADS)),
            pl.BlockSpec((ROW_BLK, D), lambda i: (i, 0)),
            full((D, CLS)), full((1, CLS)), full((1, CLS)), full((1, CLS)),
            full((CLS, CLS // 2)), full((1, CLS // 2)),
            full((1, CLS // 2)), full((1, CLS // 2)),
            full((CLS // 2, NUM_CLASSES)), full((1, NUM_CLASSES)),
        ],
        out_specs=[
            pl.BlockSpec((ROW_BLK, HEADS), lambda i: (i, 0)),
            full((1, NUM_CLASSES)),
        ],
        out_shape=[
            jax.ShapeDtypeStruct((N, HEADS), jnp.float32),
            jax.ShapeDtypeStruct((1, NUM_CLASSES), jnp.float32),
        ],
        scratch_shapes=[
            pltpu.VMEM((HEADS, D), jnp.float32),
            pltpu.VMEM((2, HEADS), jnp.float32),
        ],
    )(s, h,
      c['W1'], c['b1'].reshape(1, CLS), c['ln1_w'].reshape(1, CLS),
      c['ln1_b'].reshape(1, CLS),
      c['W2'], c['b2'].reshape(1, CLS // 2), c['ln2_w'].reshape(1, CLS // 2),
      c['ln2_b'].reshape(1, CLS // 2),
      c['W3'], c['b3'].reshape(1, NUM_CLASSES))


def kernel(x, edge_index, params):
    src = edge_index[0]
    dst = edge_index[1]
    pad = EPAD - E
    trash = N + jnp.arange(pad, dtype=jnp.int32) % (ACC_ROWS - N)
    src_r = jnp.concatenate([src, jnp.zeros((pad,), jnp.int32)])
    src_r = src_r.reshape(TILES, NCHUNK, CHUNK)
    dst_r = jnp.concatenate([dst, trash]).reshape(TILES, NCHUNK, CHUNK)

    att_p = params['att']
    w1c = jnp.concatenate([hp['W1'] for hp in att_p], axis=1)
    b1c = jnp.concatenate([hp['b1'] for hp in att_p]).reshape(1, HEADS * ATT)
    w2c = jnp.stack([hp['W2'][:, 0] for hp in att_p], axis=0)
    b2c = jnp.stack([hp['b2'][0] for hp in att_p]).reshape(1, HEADS)

    p0 = params['gin'][0]
    agg = _segsum(x, src_r, dst_r)
    h = _gin_dense((1.0 + p0['eps']).reshape(1, 1), x, agg, p0,
                   params['ln_w'][0], params['ln_b'][0])

    p1 = params['gin'][1]
    agg = _segsum(h, src_r, dst_r)
    h, s = _gin_dense_scores((1.0 + p1['eps']).reshape(1, 1), h, agg, p1,
                             params['ln_w'][1], params['ln_b'][1],
                             w1c, b1c, w2c, b2c)

    att, probs = _pool_cls(s, h, params['cls'])
    return (probs.reshape(NUM_CLASSES), att)

# --- scband reference (transcript-rebuilt; emitter-appended) ---
"""Pipeline reference for scband-graph-mil-10892037063141 (READ-ONLY COPY).

The authoritative reference and input builder live on the scoring server;
editing this copy changes nothing except your own understanding.
"""

import jax, jax.numpy as jnp
import numpy as np

N = 10000
E = 320000
D = 128
ATT_DIM = 128
HEADS = 4
CLS = 128
NUM_CLASSES = 7


def _dense(key, shape, scale=0.05):
    return jax.random.normal(key, shape, dtype=jnp.float32) * scale


def _gin_params(key, in_dim, out_dim):
    k1, k2 = jax.random.split(key)
    return {
        'eps': jnp.float32(0.0),
        'W1': _dense(k1, (in_dim, out_dim)),
        'b1': jnp.zeros((out_dim,), jnp.float32),
        'ln1_w': jnp.ones((out_dim,), jnp.float32),
        'ln1_b': jnp.zeros((out_dim,), jnp.float32),
        'W2': _dense(k2, (out_dim, out_dim)),
        'b2': jnp.zeros((out_dim,), jnp.float32),
    }


def setup_inputs(seed: int = 0):
    key = jax.random.key(seed)
    ks = jax.random.split(key, 32)
    x = jax.random.normal(ks[0], (N, D), dtype=jnp.float32)
    edge_index = jax.random.randint(ks[1], (2, E), 0, N, dtype=jnp.int32)
    params = {
        'gin': [_gin_params(ks[2], D, D), _gin_params(ks[3], D, D)],
        'ln_w': [jnp.ones((D,), jnp.float32), jnp.ones((D,), jnp.float32)],
        'ln_b': [jnp.zeros((D,), jnp.float32), jnp.zeros((D,), jnp.float32)],
        'att': [
            {
                'W1': _dense(jax.random.fold_in(ks[4], h), (D, ATT_DIM)),
                'b1': jnp.zeros((ATT_DIM,), jnp.float32),
                'W2': _dense(jax.random.fold_in(ks[5], h), (ATT_DIM, 1)),
                'b2': jnp.zeros((1,), jnp.float32),
            }
            for h in range(HEADS)
        ],
        'cls': {
            'W1': _dense(ks[6], (D, CLS)),
            'b1': jnp.zeros((CLS,), jnp.float32),
            'ln1_w': jnp.ones((CLS,), jnp.float32),
            'ln1_b': jnp.zeros((CLS,), jnp.float32),
            'W2': _dense(ks[7], (CLS, CLS // 2)),
            'b2': jnp.zeros((CLS // 2,), jnp.float32),
            'ln2_w': jnp.ones((CLS // 2,), jnp.float32),
            'ln2_b': jnp.zeros((CLS // 2,), jnp.float32),
            'W3': _dense(ks[8], (CLS // 2, NUM_CLASSES)),
            'b3': jnp.zeros((NUM_CLASSES,), jnp.float32),
        },
    }
    return {'x': x, 'edge_index': edge_index, 'params': params}


def _layer_norm(v, w, b, eps=1e-5):
    mu = jnp.mean(v, axis=-1, keepdims=True)
    var = jnp.var(v, axis=-1, keepdims=True)
    return (v - mu) / jnp.sqrt(var + eps) * w + b


def _gin_layer(h, edge_index, p):
    # GINConv: nn((1+eps)*x + sum_{j in N(i)} x_j); src=edge_index[0], dst=edge_index[1]
    msgs = jnp.take(h, edge_index[0], axis=0)
    agg = jax.ops.segment_sum(msgs, edge_index[1], num_segments=h.shape[0])
    z = (1.0 + p['eps']) * h + agg
    z = z @ p['W1'] + p['b1']
    z = _layer_norm(z, p['ln1_w'], p['ln1_b'])
    z = jax.nn.relu(z)
    z = z @ p['W2'] + p['b2']
    return z


def _forward(x, params, edge_index):
    h = x
    for i in range(2):
        h_prev = h
        h = _gin_layer(h, edge_index, params['gin'][i])
        h = _layer_norm(h, params['ln_w'][i], params['ln_b'][i])
        h = jax.nn.relu(h)
        # dropout p=0 -> identity; residual (shapes match)
        h = h + h_prev
    a_list = []
    z_list = []
    for head in params['att']:
        s = jnp.tanh(h @ head['W1'] + head['b1']) @ head['W2'] + head['b2']  # [N,1]
        a = jax.nn.softmax(s, axis=0)
        a_list.append(a)
        z_list.append(jnp.sum(a * h, axis=0))
    z_agg = jnp.mean(jnp.stack(z_list, axis=0), axis=0)
    att = jnp.concatenate(a_list, axis=1)
    c = params['cls']
    t = z_agg @ c['W1'] + c['b1']
    t = _layer_norm(t, c['ln1_w'], c['ln1_b'])
    t = jax.nn.relu(t)
    t = t @ c['W2'] + c['b2']
    t = _layer_norm(t, c['ln2_w'], c['ln2_b'])
    t = jax.nn.relu(t)
    logits = t @ c['W3'] + c['b3']
    probs = jax.nn.softmax(logits, axis=0)
    return (probs, att)


def reference(x, edge_index, params):
    return _forward(x, params, edge_index)

if __name__ == "__main__":
    import jax
    _d = setup_inputs()
    print(jax.jit(kernel)(*tuple(_d.values())))

</pallas_src>

<mosaic_0001>
#map = affine_map<(d0, d1) -> (0, 0)>
#map1 = affine_map<(d0, d1) -> (0, 0, 0)>
module attributes {stable_mosaic.version = 14 : i64} {
  func.func @_segsum_body(%arg0: i32, %arg1: i32, %arg2: memref<10000x128xf32, #tpu.memory_space<hbm>>, %arg3: memref<32x79x128xi32, #tpu.memory_space<hbm>>, %arg4: memref<32x79x128xi32, #tpu.memory_space<hbm>>, %arg5: memref<2x10240x128xf32, #tpu.memory_space<hbm>>, %arg6: memref<79x128xi32, #tpu.memory_space<vmem>>, %arg7: memref<79x128xi32, #tpu.memory_space<vmem>>, %arg8: memref<128x128xf32, #tpu.memory_space<vmem>>, %arg9: memref<10240x128xf32, #tpu.memory_space<vmem_shared>>, %arg10: memref<!tpu.dma_semaphore, #tpu.memory_space<semaphore_mem>>) attributes {dimension_semantics = [#tpu.dimension_semantics<core_parallel>, #tpu.dimension_semantics<subcore_parallel>], iteration_bounds = array<i64: 2, 16>, scalar_prefetch = 0 : i64, scratch_operands = 5 : i64, tpu.core_type = #tpu.core_type<sc_vector_subcore>, window_params = [{transform_indices = #map}, {transform_indices = #map1}, {transform_indices = #map1}, {transform_indices = #map1}]} {
    %mul3A = arith.constant 16 : i32
    %mul3A_0 = arith.muli %arg0, %mul3A : i32
    %add3A = arith.addi %mul3A_0, %arg1 : i32
    %scan3A = arith.constant 0 : i32
    %scan3A_1 = arith.constant 0 : i32
    %scan3A_2 = arith.constant 128 : i32
    %scan3A_3 = arith.addi %scan3A_1, %scan3A_2 : i32
    %scan3A_4 = arith.constant 1 : i32
    scf.for %scan3A_25 = %scan3A_1 to %scan3A_3 step %scan3A_4  : i32 {
      %broadcast_in_dim3A = arith.constant 0.000000e+00 : f32
      %broadcast_in_dim3A_26 = vector.broadcast %broadcast_in_dim3A : f32 to vector<16xf32>
      %swap3A = arith.index_cast %scan3A_25 : i32 to index
      %swap3A_27 = arith.constant 0 : index
      %swap3A_28 = tpu.vector_load %arg8[%swap3A, %swap3A_27] {strides = array<i32>} : memref<128x128xf32, #tpu.memory_space<vmem>>, vector<1x16xf32>,
      %swap3A_29 = vector.shape_cast %swap3A_28 : vector<1x16xf32> to vector<16xf32>
      %swap3A_30 = vector.shape_cast %broadcast_in_dim3A_26 : vector<16xf32> to vector<1x16xf32>
      tpu.vector_store %arg8[%swap3A, %swap3A_27], %swap3A_30 {strides = array<i32>} : memref<128x128xf32, #tpu.memory_space<vmem>>, vector<1x16xf32>,
      %broadcast_in_dim3A_31 = arith.constant 0.000000e+00 : f32
      %broadcast_in_dim3A_32 = vector.broadcast %broadcast_in_dim3A_31 : f32 to vector<16xf32>
      %swap3A_33 = arith.index_cast %scan3A_25 : i32 to index
      %swap3A_34 = arith.constant 16 : index
      %swap3A_35 = tpu.vector_load %arg8[%swap3A_33, %swap3A_34] {strides = array<i32>} : memref<128x128xf32, #tpu.memory_space<vmem>>, vector<1x16xf32>,
      %swap3A_36 = vector.shape_cast %swap3A_35 : vector<1x16xf32> to vector<16xf32>
      %swap3A_37 = vector.shape_cast %broadcast_in_dim3A_32 : vector<16xf32> to vector<1x16xf32>
      tpu.vector_store %arg8[%swap3A_33, %swap3A_34], %swap3A_37 {strides = array<i32>} : memref<128x128xf32, #tpu.memory_space<vmem>>, vector<1x16xf32>,
      %broadcast_in_dim3A_38 = arith.constant 0.000000e+00 : f32
      %broadcast_in_dim3A_39 = vector.broadcast %broadcast_in_dim3A_38 : f32 to vector<16xf32>
      %swap3A_40 = arith.index_cast %scan3A_25 : i32 to index
      %swap3A_41 = arith.constant 32 : index
      %swap3A_42 = tpu.vector_load %arg8[%swap3A_40, %swap3A_41] {strides = array<i32>} : memref<128x128xf32, #tpu.memory_space<vmem>>, vector<1x16xf32>,
      %swap3A_43 = vector.shape_cast %swap3A_42 : vector<1x16xf32> to vector<16xf32>
      %swap3A_44 = vector.shape_cast %broadcast_in_dim3A_39 : vector<16xf32> to vector<1x16xf32>
      tpu.vector_store %arg8[%swap3A_40, %swap3A_41], %swap3A_44 {strides = array<i32>} : memref<128x128xf32, #tpu.memory_space<vmem>>, vector<1x16xf32>,
      %broadcast_in_dim3A_45 = arith.constant 0.000000e+00 : f32
      %broadcast_in_dim3A_46 = vector.broadcast %broadcast_in_dim3A_45 : f32 to vector<16xf32>
      %swap3A_47 = arith.index_cast %scan3A_25 : i32 to index
      %swap3A_48 = arith.constant 48 : index
      %swap3A_49 = tpu.vector_load %arg8[%swap3A_47, %swap3A_48] {strides = array<i32>} : memref<128x128xf32, #tpu.memory_space<vmem>>, vector<1x16xf32>,
      %swap3A_50 = vector.shape_cast %swap3A_49 : vector<1x16xf32> to vector<16xf32>
      %swap3A_51 = vector.shape_cast %broadcast_in_dim3A_46 : vector<16xf32> to vector<1x16xf32>
      tpu.vector_store %arg8[%swap3A_47, %swap3A_48], %swap3A_51 {strides = array<i32>} : memref<128x128xf32, #tpu.memory_space<vmem>>, vector<1x16xf32>,
      %broadcast_in_dim3A_52 = arith.constant 0.000000e+00 : f32
      %broadcast_in_dim3A_53 = vector.broadcast %broadcast_in_dim3A_52 : f32 to vector<16xf32>
      %swap3A_54 = arith.index_cast %scan3A_25 : i32 to index
      %swap3A_55 = arith.constant 64 : index
      %swap3A_56 = tpu.vector_load %arg8[%swap3A_54, %swap3A_55] {strides = array<i32>} : memref<128x128xf32, #tpu.memory_space<vmem>>, vector<1x16xf32>,
      %swap3A_57 = vector.shape_cast %swap3A_56 : vector<1x16xf32> to vector<16xf32>
      %swap3A_58 = vector.shape_cast %broadcast_in_dim3A_53 : vector<16xf32> to vector<1x16xf32>
      tpu.vector_store %arg8[%swap3A_54, %swap3A_55], %swap3A_58 {strides = array<i32>} : memref<128x128xf32, #tpu.memory_space<vmem>>, vector<1x16xf32>,
      %broadcast_in_dim3A_59 = arith.constant 0.000000e+00 : f32
      %broadcast_in_dim3A_60 = vector.broadcast %broadcast_in_dim3A_59 : f32 to vector<16xf32>
      %swap3A_61 = arith.index_cast %scan3A_25 : i32 to index
      %swap3A_62 = arith.constant 80 : index
      %swap3A_63 = tpu.vector_load %arg8[%swap3A_61, %swap3A_62] {strides = array<i32>} : memref<128x128xf32, #tpu.memory_space<vmem>>, vector<1x16xf32>,
      %swap3A_64 = vector.shape_cast %swap3A_63 : vector<1x16xf32> to vector<16xf32>
      %swap3A_65 = vector.shape_cast %broadcast_in_dim3A_60 : vector<16xf32> to vector<1x16xf32>
      tpu.vector_store %arg8[%swap3A_61, %swap3A_62], %swap3A_65 {strides = array<i32>} : memref<128x128xf32, #tpu.memory_space<vmem>>, vector<1x16xf32>,
      %broadcast_in_dim3A_66 = arith.constant 0.000000e+00 : f32
      %broadcast_in_dim3A_67 = vector.broadcast %broadcast_in_dim3A_66 : f32 to vector<16xf32>
      %swap3A_68 = arith.index_cast %scan3A_25 : i32 to index
      %swap3A_69 = arith.constant 96 : index
      %swap3A_70 = tpu.vector_load %arg8[%swap3A_68, %swap3A_69] {strides = array<i32>} : memref<128x128xf32, #tpu.memory_space<vmem>>, vector<1x16xf32>,
      %swap3A_71 = vector.shape_cast %swap3A_70 : vector<1x16xf32> to vector<16xf32>
      %swap3A_72 = vector.shape_cast %broadcast_in_dim3A_67 : vector<16xf32> to vector<1x16xf32>
      tpu.vector_store %arg8[%swap3A_68, %swap3A_69], %swap3A_72 {strides = array<i32>} : memref<128x128xf32, #tpu.memory_space<vmem>>, vector<1x16xf32>,
      %broadcast_in_dim3A_73 = arith.constant 0.000000e+00 : f32
      %broadcast_in_dim3A_74 = vector.broadcast %broadcast_in_dim3A_73 : f32 to vector<16xf32>
      %swap3A_75 = arith.index_cast %scan3A_25 : i32 to index
      %swap3A_76 = arith.constant 112 : index
      %swap3A_77 = tpu.vector_load %arg8[%swap3A_75, %swap3A_76] {strides = array<i32>} : memref<128x128xf32, #tpu.memory_space<vmem>>, vector<1x16xf32>,
      %swap3A_78 = vector.shape_cast %swap3A_77 : vector<1x16xf32> to vector<16xf32>
      %swap3A_79 = vector.shape_cast %broadcast_in_dim3A_74 : vector<16xf32> to vector<1x16xf32>
      tpu.vector_store %arg8[%swap3A_75, %swap3A_76], %swap3A_79 {strides = array<i32>} : memref<128x128xf32, #tpu.memory_space<vmem>>, vector<1x16xf32>,
    }
    %scan3A_5 = arith.constant 128 : i32
    %scan3A_6 = arith.constant 0 : i32
    %scan3A_7 = arith.constant 0 : i32
    %scan3A_8 = arith.constant 5 : i32
    %scan3A_9 = arith.addi %scan3A_7, %scan3A_8 : i32
    %scan3A_10 = arith.constant 1 : i32
    scf.for %scan3A_25 = %scan3A_7 to %scan3A_9 step %scan3A_10  : i32 {
      %mul3A_26 = arith.constant 5 : i32
      %mul3A_27 = arith.muli %arg1, %mul3A_26 : i32
      %add3A_28 = arith.addi %mul3A_27, %scan3A_25 : i32
      %mul3A_29 = arith.constant 128 : i32
      %mul3A_30 = arith.muli %add3A_28, %mul3A_29 : i32
      "tpu.region"() ({
        %run_scoped3A = tpu.sem_alloc : memref<!tpu.dma_semaphore, #tpu.memory_space<semaphore_mem>>
        %dma_start3A = arith.constant 0 : i32
        %dma_start3A_31 = tpu.memref_slice %arg9[%mul3A_30, %dma_start3A] : memref<10240x128xf32, #tpu.memory_space<vmem_shared>> -> memref<128x128xf32, #tpu.memory_space<vmem_shared>>
        %dma_start3A_32 = arith.constant 0 : i32
        %dma_start3A_33 = tpu.memref_slice %arg9[%mul3A_30, %dma_start3A_32] : memref<10240x128xf32, #tpu.memory_space<vmem_shared>> -> memref<128x128xf32, #tpu.memory_space<vmem_shared>>
        tpu.enqueue_dma source(%arg8 : memref<128x128xf32, #tpu.memory_space<vmem>>) target(%dma_start3A_33 : memref<128x128xf32, #tpu.memory_space<vmem_shared>>) target_semaphore(%run_scoped3A : memref<!tpu.dma_semaphore, #tpu.memory_space<semaphore_mem>>)
        %dma_wait3A = arith.constant 0 : i32
        %dma_wait3A_34 = tpu.memref_slice %arg9[%mul3A_30, %dma_wait3A] : memref<10240x128xf32, #tpu.memory_space<vmem_shared>> -> memref<128x128xf32, #tpu.memory_space<vmem_shared>>
        %dma_wait3A_35 = arith.constant 0 : i32
        %dma_wait3A_36 = tpu.memref_slice %arg9[%mul3A_30, %dma_wait3A_35] : memref<10240x128xf32, #tpu.memory_space<vmem_shared>> -> memref<128x128xf32, #tpu.memory_space<vmem_shared>>
        tpu.wait_dma2 semaphore(%run_scoped3A : memref<!tpu.dma_semaphore, #tpu.memory_space<semaphore_mem>>) src(%arg8 : memref<128x128xf32, #tpu.memory_space<vmem>>) dst(%dma_wait3A_36 : memref<128x128xf32, #tpu.memory_space<vmem_shared>>)
        tpu.yield
      }) : () -> ()
    }
    %scan3A_11 = arith.constant 5 : i32
    "tpu.region"() ({
      %run_scoped3A = tpu.sem_alloc : memref<!tpu.dma_semaphore, #tpu.memory_space<semaphore_mem>>
      %dma_start3A = arith.constant 0 : i32
      %dma_start3A_25 = arith.constant 0 : i32
      %dma_start3A_26 = tpu.memref_slice %arg3[%add3A, %dma_start3A, %dma_start3A_25] : memref<32x79x128xi32, #tpu.memory_space<hbm>> -> memref<1x79x128xi32, #tpu.memory_space<hbm>>
      %dma_start3A_27 = tpu.memref_squeeze %dma_start3A_26 : memref<1x79x128xi32, #tpu.memory_space<hbm>> -> memref<79x128xi32, #tpu.memory_space<hbm>>
      %dma_start3A_28 = arith.constant 0 : i32
      %dma_start3A_29 = arith.constant 0 : i32
      %dma_start3A_30 = tpu.memref_slice %arg3[%add3A, %dma_start3A_28, %dma_start3A_29] : memref<32x79x128xi32, #tpu.memory_space<hbm>> -> memref<1x79x128xi32, #tpu.memory_space<hbm>>
      %dma_start3A_31 = tpu.memref_squeeze %dma_start3A_30 : memref<1x79x128xi32, #tpu.memory_space<hbm>> -> memref<79x128xi32, #tpu.memory_space<hbm>>
      tpu.enqueue_dma source(%dma_start3A_31 : memref<79x128xi32, #tpu.memory_space<hbm>>) target(%arg6 : memref<79x128xi32, #tpu.memory_space<vmem>>) target_semaphore(%run_scoped3A : memref<!tpu.dma_semaphore, #tpu.memory_space<semaphore_mem>>)
      %dma_wait3A = arith.constant 0 : i32
      %dma_wait3A_32 = arith.constant 0 : i32
      %dma_wait3A_33 = tpu.memref_slice %arg3[%add3A, %dma_wait3A, %dma_wait3A_32] : memref<32x79x128xi32, #tpu.memory_space<hbm>> -> memref<1x79x128xi32, #tpu.memory_space<hbm>>
      %dma_wait3A_34 = tpu.memref_squeeze %dma_wait3A_33 : memref<1x79x128xi32, #tpu.memory_space<hbm>> -> memref<79x128xi32, #tpu.memory_space<hbm>>
      %dma_wait3A_35 = arith.constant 0 : i32
      %dma_wait3A_36 = arith.constant 0 : i32
      %dma_wait3A_37 = tpu.memref_slice %arg3[%add3A, %dma_wait3A_35, %dma_wait3A_36] : memref<32x79x128xi32, #tpu.memory_space<hbm>> -> memref<1x79x128xi32, #tpu.memory_space<hbm>>
      %dma_wait3A_38 = tpu.memref_squeeze %dma_wait3A_37 : memref<1x79x128xi32, #tpu.memory_space<hbm>> -> memref<79x128xi32, #tpu.memory_space<hbm>>
      tpu.wait_dma2 semaphore(%run_scoped3A : memref<!tpu.dma_semaphore, #tpu.memory_space<semaphore_mem>>) src(%dma_wait3A_38 : memref<79x128xi32, #tpu.memory_space<hbm>>) dst(%arg6 : memref<79x128xi32, #tpu.memory_space<vmem>>)
      tpu.yield
    }) : () -> ()
    "tpu.region"() ({
      %run_scoped3A = tpu.sem_alloc : memref<!tpu.dma_semaphore, #tpu.memory_space<semaphore_mem>>
      %dma_start3A = arith.constant 0 : i32
      %dma_start3A_25 = arith.constant 0 : i32
      %dma_start3A_26 = tpu.memref_slice %arg4[%add3A, %dma_start3A, %dma_start3A_25] : memref<32x79x128xi32, #tpu.memory_space<hbm>> -> memref<1x79x128xi32, #tpu.memory_space<hbm>>
      %dma_start3A_27 = tpu.memref_squeeze %dma_start3A_26 : memref<1x79x128xi32, #tpu.memory_space<hbm>> -> memref<79x128xi32, #tpu.memory_space<hbm>>
      %dma_start3A_28 = arith.constant 0 : i32
      %dma_start3A_29 = arith.constant 0 : i32
      %dma_start3A_30 = tpu.memref_slice %arg4[%add3A, %dma_start3A_28, %dma_start3A_29] : memref<32x79x128xi32, #tpu.memory_space<hbm>> -> memref<1x79x128xi32, #tpu.memory_space<hbm>>
      %dma_start3A_31 = tpu.memref_squeeze %dma_start3A_30 : memref<1x79x128xi32, #tpu.memory_space<hbm>> -> memref<79x128xi32, #tpu.memory_space<hbm>>
      tpu.enqueue_dma source(%dma_start3A_31 : memref<79x128xi32, #tpu.memory_space<hbm>>) target(%arg7 : memref<79x128xi32, #tpu.memory_space<vmem>>) target_semaphore(%run_scoped3A : memref<!tpu.dma_semaphore, #tpu.memory_space<semaphore_mem>>)
      %dma_wait3A = arith.constant 0 : i32
      %dma_wait3A_32 = arith.constant 0 : i32
      %dma_wait3A_33 = tpu.memref_slice %arg4[%add3A, %dma_wait3A, %dma_wait3A_32] : memref<32x79x128xi32, #tpu.memory_space<hbm>> -> memref<1x79x128xi32, #tpu.memory_space<hbm>>
      %dma_wait3A_34 = tpu.memref_squeeze %dma_wait3A_33 : memref<1x79x128xi32, #tpu.memory_space<hbm>> -> memref<79x128xi32, #tpu.memory_space<hbm>>
      %dma_wait3A_35 = arith.constant 0 : i32
      %dma_wait3A_36 = arith.constant 0 : i32
      %dma_wait3A_37 = tpu.memref_slice %arg4[%add3A, %dma_wait3A_35, %dma_wait3A_36] : memref<32x79x128xi32, #tpu.memory_space<hbm>> -> memref<1x79x128xi32, #tpu.memory_space<hbm>>
      %dma_wait3A_38 = tpu.memref_squeeze %dma_wait3A_37 : memref<1x79x128xi32, #tpu.memory_space<hbm>> -> memref<79x128xi32, #tpu.memory_space<hbm>>
      tpu.wait_dma2 semaphore(%run_scoped3A : memref<!tpu.dma_semaphore, #tpu.memory_space<semaphore_mem>>) src(%dma_wait3A_38 : memref<79x128xi32, #tpu.memory_space<hbm>>) dst(%arg7 : memref<79x128xi32, #tpu.memory_space<vmem>>)
      tpu.yield
    }) : () -> ()
    %barrier3A = arith.constant 0 : index
    tpu.barrier barrier_id(%barrier3A)
    %scan3A_12 = arith.constant 0 : i32
    %scan3A_13 = arith.constant 0 : i32
    %scan3A_14 = arith.constant 79 : i32
    %scan3A_15 = arith.addi %scan3A_13, %scan3A_14 : i32
    %scan3A_16 = arith.constant 1 : i32
    scf.for %scan3A_25 = %scan3A_13 to %scan3A_15 step %scan3A_16  : i32 {
      %dma_start3A = arith.constant 0 : i32
      %dma_start3A_26 = tpu.memref_slice %arg6[%scan3A_25, %dma_start3A] : memref<79x128xi32, #tpu.memory_space<vmem>> -> memref<1x128xi32, #tpu.memory_space<vmem>>
      %dma_start3A_27 = tpu.memref_squeeze %dma_start3A_26 : memref<1x128xi32, #tpu.memory_space<vmem>> -> memref<128xi32, #tpu.memory_space<vmem>>
      %dma_start3A_28 = arith.constant 0 : i32
      %dma_start3A_29 = arith.constant 0 : i32
      %dma_start3A_30 = tpu.memref_slice %arg2[%dma_start3A_28, %dma_start3A_29] : memref<10000x128xf32, #tpu.memory_space<hbm>> -> memref<10000x128xf32, #tpu.memory_space<hbm>>
      tpu.enqueue_indirect_dma source(%dma_start3A_30 : memref<10000x128xf32, #tpu.memory_space<hbm>>) target(%arg8 : memref<128x128xf32, #tpu.memory_space<vmem>>) offsets(%dma_start3A_27 : memref<128xi32, #tpu.memory_space<vmem>>) semaphore(%arg10 : memref<!tpu.dma_semaphore, #tpu.memory_space<semaphore_mem>>)
      %dma_wait3A = arith.constant 0 : i32
      %dma_wait3A_31 = tpu.memref_slice %arg6[%scan3A_25, %dma_wait3A] : memref<79x128xi32, #tpu.memory_space<vmem>> -> memref<1x128xi32, #tpu.memory_space<vmem>>
      %dma_wait3A_32 = tpu.memref_squeeze %dma_wait3A_31 : memref<1x128xi32, #tpu.memory_space<vmem>> -> memref<128xi32, #tpu.memory_space<vmem>>
      %dma_wait3A_33 = arith.constant 0 : i32
      %dma_wait3A_34 = arith.constant 0 : i32
      %dma_wait3A_35 = tpu.memref_slice %arg2[%dma_wait3A_33, %dma_wait3A_34] : memref<10000x128xf32, #tpu.memory_space<hbm>> -> memref<10000x128xf32, #tpu.memory_space<hbm>>
      tpu.wait_indirect_dma semaphore(%arg10 : memref<!tpu.dma_semaphore, #tpu.memory_space<semaphore_mem>>) src(%dma_wait3A_35 : memref<10000x128xf32, #tpu.memory_space<hbm>>) dst(%arg8 : memref<128x128xf32, #tpu.memory_space<vmem>>)
      "tpu.region"() ({
        %run_scoped3A = tpu.sem_alloc : memref<!tpu.dma_semaphore, #tpu.memory_space<semaphore_mem>>
        %dma_start3A_36 = arith.constant 0 : i32
        %dma_start3A_37 = tpu.memref_slice %arg7[%scan3A_25, %dma_start3A_36] : memref<79x128xi32, #tpu.memory_space<vmem>> -> memref<1x128xi32, #tpu.memory_space<vmem>>
        %dma_start3A_38 = tpu.memref_squeeze %dma_start3A_37 : memref<1x128xi32, #tpu.memory_space<vmem>> -> memref<128xi32, #tpu.memory_space<vmem>>
        %dma_start3A_39 = arith.constant 0 : i32
        %dma_start3A_40 = arith.constant 0 : i32
        %dma_start3A_41 = tpu.memref_slice %arg9[%dma_start3A_39, %dma_start3A_40] : memref<10240x128xf32, #tpu.memory_space<vmem_shared>> -> memref<10240x128xf32, #tpu.memory_space<vmem_shared>>
        tpu.enqueue_indirect_dma source(%arg8 : memref<128x128xf32, #tpu.memory_space<vmem>>) target(%dma_start3A_41 : memref<10240x128xf32, #tpu.memory_space<vmem_shared>>) offsets(%dma_start3A_38 : memref<128xi32, #tpu.memory_space<vmem>>) semaphore(%run_scoped3A : memref<!tpu.dma_semaphore, #tpu.memory_space<semaphore_mem>>) {add = true}
        %dma_wait3A_42 = arith.constant 0 : i32
        %dma_wait3A_43 = tpu.memref_slice %arg7[%scan3A_25, %dma_wait3A_42] : memref<79x128xi32, #tpu.memory_space<vmem>> -> memref<1x128xi32, #tpu.memory_space<vmem>>
        %dma_wait3A_44 = tpu.memref_squeeze %dma_wait3A_43 : memref<1x128xi32, #tpu.memory_space<vmem>> -> memref<128xi32, #tpu.memory_space<vmem>>
        %dma_wait3A_45 = arith.constant 0 : i32
        %dma_wait3A_46 = arith.constant 0 : i32
        %dma_wait3A_47 = tpu.memref_slice %arg9[%dma_wait3A_45, %dma_wait3A_46] : memref<10240x128xf32, #tpu.memory_space<vmem_shared>> -> memref<10240x128xf32, #tpu.memory_space<vmem_shared>>
        tpu.wait_indirect_dma semaphore(%run_scoped3A : memref<!tpu.dma_semaphore, #tpu.memory_space<semaphore_mem>>) src(%arg8 : memref<128x128xf32, #tpu.memory_space<vmem>>) dst(%dma_wait3A_47 : memref<10240x128xf32, #tpu.memory_space<vmem_shared>>)
        tpu.yield
      }) : () -> ()
    }
    %scan3A_17 = arith.constant 79 : i32
    %barrier3A_18 = arith.constant 0 : index
    tpu.barrier barrier_id(%barrier3A_18)
    %scan3A_19 = arith.constant 0 : i32
    %scan3A_20 = arith.constant 0 : i32
    %scan3A_21 = arith.constant 5 : i32
    %scan3A_22 = arith.addi %scan3A_20, %scan3A_21 : i32
    %scan3A_23 = arith.constant 1 : i32
    scf.for %scan3A_25 = %scan3A_20 to %scan3A_22 step %scan3A_23  : i32 {
      %mul3A_26 = arith.constant 5 : i32
      %mul3A_27 = arith.muli %arg1, %mul3A_26 : i32
      %add3A_28 = arith.addi %mul3A_27, %scan3A_25 : i32
      %mul3A_29 = arith.constant 128 : i32
      %mul3A_30 = arith.muli %add3A_28, %mul3A_29 : i32
      "tpu.region"() ({
        %run_scoped3A = tpu.sem_alloc : memref<!tpu.dma_semaphore, #tpu.memory_space<semaphore_mem>>
        %dma_start3A = arith.constant 0 : i32
        %dma_start3A_31 = tpu.memref_slice %arg9[%mul3A_30, %dma_start3A] : memref<10240x128xf32, #tpu.memory_space<vmem_shared>> -> memref<128x128xf32, #tpu.memory_space<vmem_shared>>
        %dma_start3A_32 = arith.constant 0 : i32
        %dma_start3A_33 = tpu.memref_slice %arg9[%mul3A_30, %dma_start3A_32] : memref<10240x128xf32, #tpu.memory_space<vmem_shared>> -> memref<128x128xf32, #tpu.memory_space<vmem_shared>>
        tpu.enqueue_dma source(%dma_start3A_33 : memref<128x128xf32, #tpu.memory_space<vmem_shared>>) target(%arg8 : memref<128x128xf32, #tpu.memory_space<vmem>>) target_semaphore(%run_scoped3A : memref<!tpu.dma_semaphore, #tpu.memory_space<semaphore_mem>>)
        %dma_wait3A = arith.constant 0 : i32
        %dma_wait3A_34 = tpu.memref_slice %arg9[%mul3A_30, %dma_wait3A] : memref<10240x128xf32, #tpu.memory_space<vmem_shared>> -> memref<128x128xf32, #tpu.memory_space<vmem_shared>>
        %dma_wait3A_35 = arith.constant 0 : i32
        %dma_wait3A_36 = tpu.memref_slice %arg9[%mul3A_30, %dma_wait3A_35] : memref<10240x128xf32, #tpu.memory_space<vmem_shared>> -> memref<128x128xf32, #tpu.memory_space<vmem_shared>>
        tpu.wait_dma2 semaphore(%run_scoped3A : memref<!tpu.dma_semaphore, #tpu.memory_space<semaphore_mem>>) src(%dma_wait3A_36 : memref<128x128xf32, #tpu.memory_space<vmem_shared>>) dst(%arg8 : memref<128x128xf32, #tpu.memory_space<vmem>>)
        tpu.yield
      }) : () -> ()
      "tpu.region"() ({
        %run_scoped3A = tpu.sem_alloc : memref<!tpu.dma_semaphore, #tpu.memory_space<semaphore_mem>>
        %dma_start3A = arith.constant 0 : i32
        %dma_start3A_31 = tpu.memref_slice %arg5[%arg0, %mul3A_30, %dma_start3A] : memref<2x10240x128xf32, #tpu.memory_space<hbm>> -> memref<1x128x128xf32, #tpu.memory_space<hbm>>
        %dma_start3A_32 = tpu.memref_squeeze %dma_start3A_31 : memref<1x128x128xf32, #tpu.memory_space<hbm>> -> memref<128x128xf32, #tpu.memory_space<hbm>>
        %dma_start3A_33 = arith.constant 0 : i32
        %dma_start3A_34 = tpu.memref_slice %arg5[%arg0, %mul3A_30, %dma_start3A_33] : memref<2x10240x128xf32, #tpu.memory_space<hbm>> -> memref<1x128x128xf32, #tpu.memory_space<hbm>>
        %dma_start3A_35 = tpu.memref_squeeze %dma_start3A_34 : memref<1x128x128xf32, #tpu.memory_space<hbm>> -> memref<128x128xf32, #tpu.memory_space<hbm>>
        tpu.enqueue_dma source(%arg8 : memref<128x128xf32, #tpu.memory_space<vmem>>) target(%dma_start3A_35 : memref<128x128xf32, #tpu.memory_space<hbm>>) target_semaphore(%run_scoped3A : memref<!tpu.dma_semaphore, #tpu.memory_space<semaphore_mem>>)
        %dma_wait3A = arith.constant 0 : i32
        %dma_wait3A_36 = tpu.memref_slice %arg5[%arg0, %mul3A_30, %dma_wait3A] : memref<2x10240x128xf32, #tpu.memory_space<hbm>> -> memref<1x128x128xf32, #tpu.memory_space<hbm>>
        %dma_wait3A_37 = tpu.memref_squeeze %dma_wait3A_36 : memref<1x128x128xf32, #tpu.memory_space<hbm>> -> memref<128x128xf32, #tpu.memory_space<hbm>>
        %dma_wait3A_38 = arith.constant 0 : i32
        %dma_wait3A_39 = tpu.memref_slice %arg5[%arg0, %mul3A_30, %dma_wait3A_38] : memref<2x10240x128xf32, #tpu.memory_space<hbm>> -> memref<1x128x128xf32, #tpu.memory_space<hbm>>
        %dma_wait3A_40 = tpu.memref_squeeze %dma_wait3A_39 : memref<1x128x128xf32, #tpu.memory_space<hbm>> -> memref<128x128xf32, #tpu.memory_space<hbm>>
        tpu.wait_dma2 semaphore(%run_scoped3A : memref<!tpu.dma_semaphore, #tpu.memory_space<semaphore_mem>>) src(%arg8 : memref<128x128xf32, #tpu.memory_space<vmem>>) dst(%dma_wait3A_40 : memref<128x128xf32, #tpu.memory_space<hbm>>)
        tpu.yield
      }) : () -> ()
    }
    %scan3A_24 = arith.constant 5 : i32
    return
  }
}

#map = affine_map<(d0, d1) -> (0, 0)>
#map1 = affine_map<(d0, d1) -> (0, 0, 0)>
module attributes {stable_mosaic.version = 14 : i64} {
  func.func @_segsum_body(%arg0: i32, %arg1: i32, %arg2: memref<10000x128xf32, #tpu.memory_space<hbm>>, %arg3: memref<32x79x128xi32, #tpu.memory_space<hbm>>, %arg4: memref<32x79x128xi32, #tpu.memory_space<hbm>>, %arg5: memref<2x10240x128xf32, #tpu.memory_space<hbm>>, %arg6: memref<79x128xi32, #tpu.memory_space<vmem>>, %arg7: memref<79x128xi32, #tpu.memory_space<vmem>>, %arg8: memref<128x128xf32, #tpu.memory_space<vmem>>, %arg9: memref<10240x128xf32, #tpu.memory_space<vmem_shared>>, %arg10: memref<!tpu.dma_semaphore, #tpu.memory_space<semaphore_mem>>) attributes {dimension_semantics = [#tpu.dimension_semantics<core_parallel>, #tpu.dimension_semantics<subcore_parallel>], iteration_bounds = array<i64: 2, 16>, scalar_prefetch = 0 : i64, scratch_operands = 5 : i64, tpu.core_type = #tpu.core_type<sc_vector_subcore>, window_params = [{transform_indices = #map}, {transform_indices = #map1}, {transform_indices = #map1}, {transform_indices = #map1}]} {
    %mul3A = arith.constant 16 : i32
    %mul3A_0 = arith.muli %arg0, %mul3A : i32
    %add3A = arith.addi %mul3A_0, %arg1 : i32
    %scan3A = arith.constant 0 : i32
    %scan3A_1 = arith.constant 0 : i32
    %scan3A_2 = arith.constant 128 : i32
    %scan3A_3 = arith.addi %scan3A_1, %scan3A_2 : i32
    %scan3A_4 = arith.constant 1 : i32
    scf.for %scan3A_25 = %scan3A_1 to %scan3A_3 step %scan3A_4  : i32 {
      %broadcast_in_dim3A = arith.constant 0.000000e+00 : f32
      %broadcast_in_dim3A_26 = vector.broadcast %broadcast_in_dim3A : f32 to vector<16xf32>
      %swap3A = arith.index_cast %scan3A_25 : i32 to index
      %swap3A_27 = arith.constant 0 : index
      %swap3A_28 = tpu.vector_load %arg8[%swap3A, %swap3A_27] {strides = array<i32>} : memref<128x128xf32, #tpu.memory_space<vmem>>, vector<1x16xf32>,
      %swap3A_29 = vector.shape_cast %swap3A_28 : vector<1x16xf32> to vector<16xf32>
      %swap3A_30 = vector.shape_cast %broadcast_in_dim3A_26 : vector<16xf32> to vector<1x16xf32>
      tpu.vector_store %arg8[%swap3A, %swap3A_27], %swap3A_30 {strides = array<i32>} : memref<128x128xf32, #tpu.memory_space<vmem>>, vector<1x16xf32>,
      %broadcast_in_dim3A_31 = arith.constant 0.000000e+00 : f32
      %broadcast_in_dim3A_32 = vector.broadcast %broadcast_in_dim3A_31 : f32 to vector<16xf32>
      %swap3A_33 = arith.index_cast %scan3A_25 : i32 to index
      %swap3A_34 = arith.constant 16 : index
      %swap3A_35 = tpu.vector_load %arg8[%swap3A_33, %swap3A_34] {strides = array<i32>} : memref<128x128xf32, #tpu.memory_space<vmem>>, vector<1x16xf32>,
      %swap3A_36 = vector.shape_cast %swap3A_35 : vector<1x16xf32> to vector<16xf32>
      %swap3A_37 = vector.shape_cast %broadcast_in_dim3A_32 : vector<16xf32> to vector<1x16xf32>
      tpu.vector_store %arg8[%swap3A_33, %swap3A_34], %swap3A_37 {strides = array<i32>} : memref<128x128xf32, #tpu.memory_space<vmem>>, vector<1x16xf32>,
      %broadcast_in_dim3A_38 = arith.constant 0.000000e+00 : f32
      %broadcast_in_dim3A_39 = vector.broadcast %broadcast_in_dim3A_38 : f32 to vector<16xf32>
      %swap3A_40 = arith.index_cast %scan3A_25 : i32 to index
      %swap3A_41 = arith.constant 32 : index
      %swap3A_42 = tpu.vector_load %arg8[%swap3A_40, %swap3A_41] {strides = array<i32>} : memref<128x128xf32, #tpu.memory_space<vmem>>, vector<1x16xf32>,
      %swap3A_43 = vector.shape_cast %swap3A_42 : vector<1x16xf32> to vector<16xf32>
      %swap3A_44 = vector.shape_cast %broadcast_in_dim3A_39 : vector<16xf32> to vector<1x16xf32>
      tpu.vector_store %arg8[%swap3A_40, %swap3A_41], %swap3A_44 {strides = array<i32>} : memref<128x128xf32, #tpu.memory_space<vmem>>, vector<1x16xf32>,
      %broadcast_in_dim3A_45 = arith.constant 0.000000e+00 : f32
      %broadcast_in_dim3A_46 = vector.broadcast %broadcast_in_dim3A_45 : f32 to vector<16xf32>
      %swap3A_47 = arith.index_cast %scan3A_25 : i32 to index
      %swap3A_48 = arith.constant 48 : index
      %swap3A_49 = tpu.vector_load %arg8[%swap3A_47, %swap3A_48] {strides = array<i32>} : memref<128x128xf32, #tpu.memory_space<vmem>>, vector<1x16xf32>,
      %swap3A_50 = vector.shape_cast %swap3A_49 : vector<1x16xf32> to vector<16xf32>
      %swap3A_51 = vector.shape_cast %broadcast_in_dim3A_46 : vector<16xf32> to vector<1x16xf32>
      tpu.vector_store %arg8[%swap3A_47, %swap3A_48], %swap3A_51 {strides = array<i32>} : memref<128x128xf32, #tpu.memory_space<vmem>>, vector<1x16xf32>,
      %broadcast_in_dim3A_52 = arith.constant 0.000000e+00 : f32
      %broadcast_in_dim3A_53 = vector.broadcast %broadcast_in_dim3A_52 : f32 to vector<16xf32>
      %swap3A_54 = arith.index_cast %scan3A_25 : i32 to index
      %swap3A_55 = arith.constant 64 : index
      %swap3A_56 = tpu.vector_load %arg8[%swap3A_54, %swap3A_55] {strides = array<i32>} : memref<128x128xf32, #tpu.memory_space<vmem>>, vector<1x16xf32>,
      %swap3A_57 = vector.shape_cast %swap3A_56 : vector<1x16xf32> to vector<16xf32>
      %swap3A_58 = vector.shape_cast %broadcast_in_dim3A_53 : vector<16xf32> to vector<1x16xf32>
      tpu.vector_store %arg8[%swap3A_54, %swap3A_55], %swap3A_58 {strides = array<i32>} : memref<128x128xf32, #tpu.memory_space<vmem>>, vector<1x16xf32>,
      %broadcast_in_dim3A_59 = arith.constant 0.000000e+00 : f32
      %broadcast_in_dim3A_60 = vector.broadcast %broadcast_in_dim3A_59 : f32 to vector<16xf32>
      %swap3A_61 = arith.index_cast %scan3A_25 : i32 to index
      %swap3A_62 = arith.constant 80 : index
      %swap3A_63 = tpu.vector_load %arg8[%swap3A_61, %swap3A_62] {strides = array<i32>} : memref<128x128xf32, #tpu.memory_space<vmem>>, vector<1x16xf32>,
      %swap3A_64 = vector.shape_cast %swap3A_63 : vector<1x16xf32> to vector<16xf32>
      %swap3A_65 = vector.shape_cast %broadcast_in_dim3A_60 : vector<16xf32> to vector<1x16xf32>
      tpu.vector_store %arg8[%swap3A_61, %swap3A_62], %swap3A_65 {strides = array<i32>} : memref<128x128xf32, #tpu.memory_space<vmem>>, vector<1x16xf32>,
      %broadcast_in_dim3A_66 = arith.constant 0.000000e+00 : f32
      %broadcast_in_dim3A_67 = vector.broadcast %broadcast_in_dim3A_66 : f32 to vector<16xf32>
      %swap3A_68 = arith.index_cast %scan3A_25 : i32 to index
      %swap3A_69 = arith.constant 96 : index
      %swap3A_70 = tpu.vector_load %arg8[%swap3A_68, %swap3A_69] {strides = array<i32>} : memref<128x128xf32, #tpu.memory_space<vmem>>, vector<1x16xf32>,
      %swap3A_71 = vector.shape_cast %swap3A_70 : vector<1x16xf32> to vector<16xf32>
      %swap3A_72 = vector.shape_cast %broadcast_in_dim3A_67 : vector<16xf32> to vector<1x16xf32>
      tpu.vector_store %arg8[%swap3A_68, %swap3A_69], %swap3A_72 {strides = array<i32>} : memref<128x128xf32, #tpu.memory_space<vmem>>, vector<1x16xf32>,
      %broadcast_in_dim3A_73 = arith.constant 0.000000e+00 : f32
      %broadcast_in_dim3A_74 = vector.broadcast %broadcast_in_dim3A_73 : f32 to vector<16xf32>
      %swap3A_75 = arith.index_cast %scan3A_25 : i32 to index
      %swap3A_76 = arith.constant 112 : index
      %swap3A_77 = tpu.vector_load %arg8[%swap3A_75, %swap3A_76] {strides = array<i32>} : memref<128x128xf32, #tpu.memory_space<vmem>>, vector<1x16xf32>,
      %swap3A_78 = vector.shape_cast %swap3A_77 : vector<1x16xf32> to vector<16xf32>
      %swap3A_79 = vector.shape_cast %broadcast_in_dim3A_74 : vector<16xf32> to vector<1x16xf32>
      tpu.vector_store %arg8[%swap3A_75, %swap3A_76], %swap3A_79 {strides = array<i32>} : memref<128x128xf32, #tpu.memory_space<vmem>>, vector<1x16xf32>,
    }
    %scan3A_5 = arith.constant 128 : i32
    %scan3A_6 = arith.constant 0 : i32
    %scan3A_7 = arith.constant 0 : i32
    %scan3A_8 = arith.constant 5 : i32
    %scan3A_9 = arith.addi %scan3A_7, %scan3A_8 : i32
    %scan3A_10 = arith.constant 1 : i32
    scf.for %scan3A_25 = %scan3A_7 to %scan3A_9 step %scan3A_10  : i32 {
      %mul3A_26 = arith.constant 5 : i32
      %mul3A_27 = arith.muli %arg1, %mul3A_26 : i32
      %add3A_28 = arith.addi %mul3A_27, %scan3A_25 : i32
      %mul3A_29 = arith.constant 128 : i32
      %mul3A_30 = arith.muli %add3A_28, %mul3A_29 : i32
      "tpu.region"() ({
        %run_scoped3A = tpu.sem_alloc : memref<!tpu.dma_semaphore, #tpu.memory_space<semaphore_mem>>
        %dma_start3A = arith.constant 0 : i32
        %dma_start3A_31 = tpu.memref_slice %arg9[%mul3A_30, %dma_start3A] : memref<10240x128xf32, #tpu.memory_space<vmem_shared>> -> memref<128x128xf32, #tpu.memory_space<vmem_shared>>
        %dma_start3A_32 = arith.constant 0 : i32
        %dma_start3A_33 = tpu.memref_slice %arg9[%mul3A_30, %dma_start3A_32] : memref<10240x128xf32, #tpu.memory_space<vmem_shared>> -> memref<128x128xf32, #tpu.memory_space<vmem_shared>>
        tpu.enqueue_dma source(%arg8 : memref<128x128xf32, #tpu.memory_space<vmem>>) target(%dma_start3A_33 : memref<128x128xf32, #tpu.memory_space<vmem_shared>>) target_semaphore(%run_scoped3A : memref<!tpu.dma_semaphore, #tpu.memory_space<semaphore_mem>>)
        %dma_wait3A = arith.constant 0 : i32
        %dma_wait3A_34 = tpu.memref_slice %arg9[%mul3A_30, %dma_wait3A] : memref<10240x128xf32, #tpu.memory_space<vmem_shared>> -> memref<128x128xf32, #tpu.memory_space<vmem_shared>>
        %dma_wait3A_35 = arith.constant 0 : i32
        %dma_wait3A_36 = tpu.memref_slice %arg9[%mul3A_30, %dma_wait3A_35] : memref<10240x128xf32, #tpu.memory_space<vmem_shared>> -> memref<128x128xf32, #tpu.memory_space<vmem_shared>>
        tpu.wait_dma2 semaphore(%run_scoped3A : memref<!tpu.dma_semaphore, #tpu.memory_space<semaphore_mem>>) src(%arg8 : memref<128x128xf32, #tpu.memory_space<vmem>>) dst(%dma_wait3A_36 : memref<128x128xf32, #tpu.memory_space<vmem_shared>>)
        tpu.yield
      }) : () -> ()
    }
    %scan3A_11 = arith.constant 5 : i32
    "tpu.region"() ({
      %run_scoped3A = tpu.sem_alloc : memref<!tpu.dma_semaphore, #tpu.memory_space<semaphore_mem>>
      %dma_start3A = arith.constant 0 : i32
      %dma_start3A_25 = arith.constant 0 : i32
      %dma_start3A_26 = tpu.memref_slice %arg3[%add3A, %dma_start3A, %dma_start3A_25] : memref<32x79x128xi32, #tpu.memory_space<hbm>> -> memref<1x79x128xi32, #tpu.memory_space<hbm>>
      %dma_start3A_27 = tpu.memref_squeeze %dma_start3A_26 : memref<1x79x128xi32, #tpu.memory_space<hbm>> -> memref<79x128xi32, #tpu.memory_space<hbm>>
      %dma_start3A_28 = arith.constant 0 : i32
      %dma_start3A_29 = arith.constant 0 : i32
      %dma_start3A_30 = tpu.memref_slice %arg3[%add3A, %dma_start3A_28, %dma_start3A_29] : memref<32x79x128xi32, #tpu.memory_space<hbm>> -> memref<1x79x128xi32, #tpu.memory_space<hbm>>
      %dma_start3A_31 = tpu.memref_squeeze %dma_start3A_30 : memref<1x79x128xi32, #tpu.memory_space<hbm>> -> memref<79x128xi32, #tpu.memory_space<hbm>>
      tpu.enqueue_dma source(%dma_start3A_31 : memref<79x128xi32, #tpu.memory_space<hbm>>) target(%arg6 : memref<79x128xi32, #tpu.memory_space<vmem>>) target_semaphore(%run_scoped3A : memref<!tpu.dma_semaphore, #tpu.memory_space<semaphore_mem>>)
      %dma_wait3A = arith.constant 0 : i32
      %dma_wait3A_32 = arith.constant 0 : i32
      %dma_wait3A_33 = tpu.memref_slice %arg3[%add3A, %dma_wait3A, %dma_wait3A_32] : memref<32x79x128xi32, #tpu.memory_space<hbm>> -> memref<1x79x128xi32, #tpu.memory_space<hbm>>
      %dma_wait3A_34 = tpu.memref_squeeze %dma_wait3A_33 : memref<1x79x128xi32, #tpu.memory_space<hbm>> -> memref<79x128xi32, #tpu.memory_space<hbm>>
      %dma_wait3A_35 = arith.constant 0 : i32
      %dma_wait3A_36 = arith.constant 0 : i32
      %dma_wait3A_37 = tpu.memref_slice %arg3[%add3A, %dma_wait3A_35, %dma_wait3A_36] : memref<32x79x128xi32, #tpu.memory_space<hbm>> -> memref<1x79x128xi32, #tpu.memory_space<hbm>>
      %dma_wait3A_38 = tpu.memref_squeeze %dma_wait3A_37 : memref<1x79x128xi32, #tpu.memory_space<hbm>> -> memref<79x128xi32, #tpu.memory_space<hbm>>
      tpu.wait_dma2 semaphore(%run_scoped3A : memref<!tpu.dma_semaphore, #tpu.memory_space<semaphore_mem>>) src(%dma_wait3A_38 : memref<79x128xi32, #tpu.memory_space<hbm>>) dst(%arg6 : memref<79x128xi32, #tpu.memory_space<vmem>>)
      tpu.yield
    }) : () -> ()
    "tpu.region"() ({
      %run_scoped3A = tpu.sem_alloc : memref<!tpu.dma_semaphore, #tpu.memory_space<semaphore_mem>>
      %dma_start3A = arith.constant 0 : i32
      %dma_start3A_25 = arith.constant 0 : i32
      %dma_start3A_26 = tpu.memref_slice %arg4[%add3A, %dma_start3A, %dma_start3A_25] : memref<32x79x128xi32, #tpu.memory_space<hbm>> -> memref<1x79x128xi32, #tpu.memory_space<hbm>>
      %dma_start3A_27 = tpu.memref_squeeze %dma_start3A_26 : memref<1x79x128xi32, #tpu.memory_space<hbm>> -> memref<79x128xi32, #tpu.memory_space<hbm>>
      %dma_start3A_28 = arith.constant 0 : i32
      %dma_start3A_29 = arith.constant 0 : i32
      %dma_start3A_30 = tpu.memref_slice %arg4[%add3A, %dma_start3A_28, %dma_start3A_29] : memref<32x79x128xi32, #tpu.memory_space<hbm>> -> memref<1x79x128xi32, #tpu.memory_space<hbm>>
      %dma_start3A_31 = tpu.memref_squeeze %dma_start3A_30 : memref<1x79x128xi32, #tpu.memory_space<hbm>> -> memref<79x128xi32, #tpu.memory_space<hbm>>
      tpu.enqueue_dma source(%dma_start3A_31 : memref<79x128xi32, #tpu.memory_space<hbm>>) target(%arg7 : memref<79x128xi32, #tpu.memory_space<vmem>>) target_semaphore(%run_scoped3A : memref<!tpu.dma_semaphore, #tpu.memory_space<semaphore_mem>>)
      %dma_wait3A = arith.constant 0 : i32
      %dma_wait3A_32 = arith.constant 0 : i32
      %dma_wait3A_33 = tpu.memref_slice %arg4[%add3A, %dma_wait3A, %dma_wait3A_32] : memref<32x79x128xi32, #tpu.memory_space<hbm>> -> memref<1x79x128xi32, #tpu.memory_space<hbm>>
      %dma_wait3A_34 = tpu.memref_squeeze %dma_wait3A_33 : memref<1x79x128xi32, #tpu.memory_space<hbm>> -> memref<79x128xi32, #tpu.memory_space<hbm>>
      %dma_wait3A_35 = arith.constant 0 : i32
      %dma_wait3A_36 = arith.constant 0 : i32
      %dma_wait3A_37 = tpu.memref_slice %arg4[%add3A, %dma_wait3A_35, %dma_wait3A_36] : memref<32x79x128xi32, #tpu.memory_space<hbm>> -> memref<1x79x128xi32, #tpu.memory_space<hbm>>
      %dma_wait3A_38 = tpu.memref_squeeze %dma_wait3A_37 : memref<1x79x128xi32, #tpu.memory_space<hbm>> -> memref<79x128xi32, #tpu.memory_space<hbm>>
      tpu.wait_dma2 semaphore(%run_scoped3A : memref<!tpu.dma_semaphore, #tpu.memory_space<semaphore_mem>>) src(%dma_wait3A_38 : memref<79x128xi32, #tpu.memory_space<hbm>>) dst(%arg7 : memref<79x128xi32, #tpu.memory_space<vmem>>)
      tpu.yield
    }) : () -> ()
    %barrier3A = arith.constant 0 : index
    tpu.barrier barrier_id(%barrier3A)
    %scan3A_12 = arith.constant 0 : i32
    %scan3A_13 = arith.constant 0 : i32
    %scan3A_14 = arith.constant 79 : i32
    %scan3A_15 = arith.addi %scan3A_13, %scan3A_14 : i32
    %scan3A_16 = arith.constant 1 : i32
    scf.for %scan3A_25 = %scan3A_13 to %scan3A_15 step %scan3A_16  : i32 {
      %dma_start3A = arith.constant 0 : i32
      %dma_start3A_26 = tpu.memref_slice %arg6[%scan3A_25, %dma_start3A] : memref<79x128xi32, #tpu.memory_space<vmem>> -> memref<1x128xi32, #tpu.memory_space<vmem>>
      %dma_start3A_27 = tpu.memref_squeeze %dma_start3A_26 : memref<1x128xi32, #tpu.memory_space<vmem>> -> memref<128xi32, #tpu.memory_space<vmem>>
      %dma_start3A_28 = arith.constant 0 : i32
      %dma_start3A_29 = arith.constant 0 : i32
      %dma_start3A_30 = tpu.memref_slice %arg2[%dma_start3A_28, %dma_start3A_29] : memref<10000x128xf32, #tpu.memory_space<hbm>> -> memref<10000x128xf32, #tpu.memory_space<hbm>>
      tpu.enqueue_indirect_dma source(%dma_start3A_30 : memref<10000x128xf32, #tpu.memory_space<hbm>>) target(%arg8 : memref<128x128xf32, #tpu.memory_space<vmem>>) offsets(%dma_start3A_27 : memref<128xi32, #tpu.memory_space<vmem>>) semaphore(%arg10 : memref<!tpu.dma_semaphore, #tpu.memory_space<semaphore_mem>>)
      %dma_wait3A = arith.constant 0 : i32
      %dma_wait3A_31 = tpu.memref_slice %arg6[%scan3A_25, %dma_wait3A] : memref<79x128xi32, #tpu.memory_space<vmem>> -> memref<1x128xi32, #tpu.memory_space<vmem>>
      %dma_wait3A_32 = tpu.memref_squeeze %dma_wait3A_31 : memref<1x128xi32, #tpu.memory_space<vmem>> -> memref<128xi32, #tpu.memory_space<vmem>>
      %dma_wait3A_33 = arith.constant 0 : i32
      %dma_wait3A_34 = arith.constant 0 : i32
      %dma_wait3A_35 = tpu.memref_slice %arg2[%dma_wait3A_33, %dma_wait3A_34] : memref<10000x128xf32, #tpu.memory_space<hbm>> -> memref<10000x128xf32, #tpu.memory_space<hbm>>
      tpu.wait_indirect_dma semaphore(%arg10 : memref<!tpu.dma_semaphore, #tpu.memory_space<semaphore_mem>>) src(%dma_wait3A_35 : memref<10000x128xf32, #tpu.memory_space<hbm>>) dst(%arg8 : memref<128x128xf32, #tpu.memory_space<vmem>>)
      "tpu.region"() ({
        %run_scoped3A = tpu.sem_alloc : memref<!tpu.dma_semaphore, #tpu.memory_space<semaphore_mem>>
        %dma_start3A_36 = arith.constant 0 : i32
        %dma_start3A_37 = tpu.memref_slice %arg7[%scan3A_25, %dma_start3A_36] : memref<79x128xi32, #tpu.memory_space<vmem>> -> memref<1x128xi32, #tpu.memory_space<vmem>>
        %dma_start3A_38 = tpu.memref_squeeze %dma_start3A_37 : memref<1x128xi32, #tpu.memory_space<vmem>> -> memref<128xi32, #tpu.memory_space<vmem>>
        %dma_start3A_39 = arith.constant 0 : i32
        %dma_start3A_40 = arith.constant 0 : i32
        %dma_start3A_41 = tpu.memref_slice %arg9[%dma_start3A_39, %dma_start3A_40] : memref<10240x128xf32, #tpu.memory_space<vmem_shared>> -> memref<10240x128xf32, #tpu.memory_space<vmem_shared>>
        tpu.enqueue_indirect_dma source(%arg8 : memref<128x128xf32, #tpu.memory_space<vmem>>) target(%dma_start3A_41 : memref<10240x128xf32, #tpu.memory_space<vmem_shared>>) offsets(%dma_start3A_38 : memref<128xi32, #tpu.memory_space<vmem>>) semaphore(%run_scoped3A : memref<!tpu.dma_semaphore, #tpu.memory_space<semaphore_mem>>) {add = true}
        %dma_wait3A_42 = arith.constant 0 : i32
        %dma_wait3A_43 = tpu.memref_slice %arg7[%scan3A_25, %dma_wait3A_42] : memref<79x128xi32, #tpu.memory_space<vmem>> -> memref<1x128xi32, #tpu.memory_space<vmem>>
        %dma_wait3A_44 = tpu.memref_squeeze %dma_wait3A_43 : memref<1x128xi32, #tpu.memory_space<vmem>> -> memref<128xi32, #tpu.memory_space<vmem>>
        %dma_wait3A_45 = arith.constant 0 : i32
        %dma_wait3A_46 = arith.constant 0 : i32
        %dma_wait3A_47 = tpu.memref_slice %arg9[%dma_wait3A_45, %dma_wait3A_46] : memref<10240x128xf32, #tpu.memory_space<vmem_shared>> -> memref<10240x128xf32, #tpu.memory_space<vmem_shared>>
        tpu.wait_indirect_dma semaphore(%run_scoped3A : memref<!tpu.dma_semaphore, #tpu.memory_space<semaphore_mem>>) src(%arg8 : memref<128x128xf32, #tpu.memory_space<vmem>>) dst(%dma_wait3A_47 : memref<10240x128xf32, #tpu.memory_space<vmem_shared>>)
        tpu.yield
      }) : () -> ()
    }
    %scan3A_17 = arith.constant 79 : i32
    %barrier3A_18 = arith.constant 0 : index
    tpu.barrier barrier_id(%barrier3A_18)
    %scan3A_19 = arith.constant 0 : i32
    %scan3A_20 = arith.constant 0 : i32
    %scan3A_21 = arith.constant 5 : i32
    %scan3A_22 = arith.addi %scan3A_20, %scan3A_21 : i32
    %scan3A_23 = arith.constant 1 : i32
    scf.for %scan3A_25 = %scan3A_20 to %scan3A_22 step %scan3A_23  : i32 {
      %mul3A_26 = arith.constant 5 : i32
      %mul3A_27 = arith.muli %arg1, %mul3A_26 : i32
      %add3A_28 = arith.addi %mul3A_27, %scan3A_25 : i32
      %mul3A_29 = arith.constant 128 : i32
      %mul3A_30 = arith.muli %add3A_28, %mul3A_29 : i32
      "tpu.region"() ({
        %run_scoped3A = tpu.sem_alloc : memref<!tpu.dma_semaphore, #tpu.memory_space<semaphore_mem>>
        %dma_start3A = arith.constant 0 : i32
        %dma_start3A_31 = tpu.memref_slice %arg9[%mul3A_30, %dma_start3A] : memref<10240x128xf32, #tpu.memory_space<vmem_shared>> -> memref<128x128xf32, #tpu.memory_space<vmem_shared>>
        %dma_start3A_32 = arith.constant 0 : i32
        %dma_start3A_33 = tpu.memref_slice %arg9[%mul3A_30, %dma_start3A_32] : memref<10240x128xf32, #tpu.memory_space<vmem_shared>> -> memref<128x128xf32, #tpu.memory_space<vmem_shared>>
        tpu.enqueue_dma source(%dma_start3A_33 : memref<128x128xf32, #tpu.memory_space<vmem_shared>>) target(%arg8 : memref<128x128xf32, #tpu.memory_space<vmem>>) target_semaphore(%run_scoped3A : memref<!tpu.dma_semaphore, #tpu.memory_space<semaphore_mem>>)
        %dma_wait3A = arith.constant 0 : i32
        %dma_wait3A_34 = tpu.memref_slice %arg9[%mul3A_30, %dma_wait3A] : memref<10240x128xf32, #tpu.memory_space<vmem_shared>> -> memref<128x128xf32, #tpu.memory_space<vmem_shared>>
        %dma_wait3A_35 = arith.constant 0 : i32
        %dma_wait3A_36 = tpu.memref_slice %arg9[%mul3A_30, %dma_wait3A_35] : memref<10240x128xf32, #tpu.memory_space<vmem_shared>> -> memref<128x128xf32, #tpu.memory_space<vmem_shared>>
        tpu.wait_dma2 semaphore(%run_scoped3A : memref<!tpu.dma_semaphore, #tpu.memory_space<semaphore_mem>>) src(%dma_wait3A_36 : memref<128x128xf32, #tpu.memory_space<vmem_shared>>) dst(%arg8 : memref<128x128xf32, #tpu.memory_space<vmem>>)
        tpu.yield
      }) : () -> ()
      "tpu.region"() ({
        %run_scoped3A = tpu.sem_alloc : memref<!tpu.dma_semaphore, #tpu.memory_space<semaphore_mem>>
        %dma_start3A = arith.constant 0 : i32
        %dma_start3A_31 = tpu.memref_slice %arg5[%arg0, %mul3A_30, %dma_start3A] : memref<2x10240x128xf32, #tpu.memory_space<hbm>> -> memref<1x128x128xf32, #tpu.memory_space<hbm>>
        %dma_start3A_32 = tpu.memref_squeeze %dma_start3A_31 : memref<1x128x128xf32, #tpu.memory_space<hbm>> -> memref<128x128xf32, #tpu.memory_space<hbm>>
        %dma_start3A_33 = arith.constant 0 : i32
        %dma_start3A_34 = tpu.memref_slice %arg5[%arg0, %mul3A_30, %dma_start3A_33] : memref<2x10240x128xf32, #tpu.memory_space<hbm>> -> memref<1x128x128xf32, #tpu.memory_space<hbm>>
        %dma_start3A_35 = tpu.memref_squeeze %dma_start3A_34 : memref<1x128x128xf32, #tpu.memory_space<hbm>> -> memref<128x128xf32, #tpu.memory_space<hbm>>
        tpu.enqueue_dma source(%arg8 : memref<128x128xf32, #tpu.memory_space<vmem>>) target(%dma_start3A_35 : memref<128x128xf32, #tpu.memory_space<hbm>>) target_semaphore(%run_scoped3A : memref<!tpu.dma_semaphore, #tpu.memory_space<semaphore_mem>>)
        %dma_wait3A = arith.constant 0 : i32
        %dma_wait3A_36 = tpu.memref_slice %arg5[%arg0, %mul3A_30, %dma_wait3A] : memref<2x10240x128xf32, #tpu.memory_space<hbm>> -> memref<1x128x128xf32, #tpu.memory_space<hbm>>
        %dma_wait3A_37 = tpu.memref_squeeze %dma_wait3A_36 : memref<1x128x128xf32, #tpu.memory_space<hbm>> -> memref<128x128xf32, #tpu.memory_space<hbm>>
        %dma_wait3A_38 = arith.constant 0 : i32
        %dma_wait3A_39 = tpu.memref_slice %arg5[%arg0, %mul3A_30, %dma_wait3A_38] : memref<2x10240x128xf32, #tpu.memory_space<hbm>> -> memref<1x128x128xf32, #tpu.memory_space<hbm>>
        %dma_wait3A_40 = tpu.memref_squeeze %dma_wait3A_39 : memref<1x128x128xf32, #tpu.memory_space<hbm>> -> memref<128x128xf32, #tpu.memory_space<hbm>>
        tpu.wait_dma2 semaphore(%run_scoped3A : memref<!tpu.dma_semaphore, #tpu.memory_space<semaphore_mem>>) src(%arg8 : memref<128x128xf32, #tpu.memory_space<vmem>>) dst(%dma_wait3A_40 : memref<128x128xf32, #tpu.memory_space<hbm>>)
        tpu.yield
      }) : () -> ()
    }
    %scan3A_24 = arith.constant 5 : i32
    return
  }
}

module attributes {stable_mosaic.version = 14 : i64} {
  func.func @_gin_body(%arg0: i32, %arg1: memref<1x1xf32, #tpu.memory_space<vmem>>, %arg2: memref<2000x128xf32, #tpu.memory_space<vmem>>, %arg3: memref<1x2000x128xf32, #tpu.memory_space<vmem>>, %arg4: memref<1x2000x128xf32, #tpu.memory_space<vmem>>, %arg5: memref<128x128xf32, #tpu.memory_space<vmem>>, %arg6: memref<1x128xf32, #tpu.memory_space<vmem>>, %arg7: memref<1x128xf32, #tpu.memory_space<vmem>>, %arg8: memref<1x128xf32, #tpu.memory_space<vmem>>, %arg9: memref<128x128xf32, #tpu.memory_space<vmem>>, %arg10: memref<1x128xf32, #tpu.memory_space<vmem>>, %arg11: memref<1x128xf32, #tpu.memory_space<vmem>>, %arg12: memref<1x128xf32, #tpu.memory_space<vmem>>, %arg13: memref<2000x128xf32, #tpu.memory_space<vmem>>) attributes {dimension_semantics = [#tpu.dimension_semantics<arbitrary>], iteration_bounds = array<i64: 5>, scalar_prefetch = 0 : i64, scratch_operands = 0 : i64, tpu.core_type = #tpu.core_type<tc>, window_params = [{pipeline_mode = #tpu.pipeline_mode<synchronous>, transform_indices = @transform_0, window_bounds = array<i64: 1, 1>}, {transform_indices = @transform_1, window_bounds = array<i64: 2000, 128>}, {transform_indices = @transform_2, window_bounds = array<i64: 1, 2000, 128>}, {transform_indices = @transform_3, window_bounds = array<i64: 1, 2000, 128>}, {pipeline_mode = #tpu.pipeline_mode<synchronous>, transform_indices = @transform_4, window_bounds = array<i64: 128, 128>}, {pipeline_mode = #tpu.pipeline_mode<synchronous>, transform_indices = @transform_5, window_bounds = array<i64: 1, 128>}, {pipeline_mode = #tpu.pipeline_mode<synchronous>, transform_indices = @transform_6, window_bounds = array<i64: 1, 128>}, {pipeline_mode = #tpu.pipeline_mode<synchronous>, transform_indices = @transform_7, window_bounds = array<i64: 1, 128>}, {pipeline_mode = #tpu.pipeline_mode<synchronous>, transform_indices = @transform_8, window_bounds = array<i64: 128, 128>}, {pipeline_mode = #tpu.pipeline_mode<synchronous>, transform_indices = @transform_9, window_bounds = array<i64: 1, 128>}, {pipeline_mode = #tpu.pipeline_mode<synchronous>, transform_indices = @transform_10, window_bounds = array<i64: 1, 128>}, {pipeline_mode = #tpu.pipeline_mode<synchronous>, transform_indices = @transform_11, window_bounds = array<i64: 1, 128>}, {transform_indices = @transform_12, window_bounds = array<i64: 2000, 128>}]} {
    %get3A = arith.constant 0 : index
    %get3A_0 = arith.constant 0 : index
    %get3A_1 = vector.load %arg2[%get3A, %get3A_0] : memref<2000x128xf32, #tpu.memory_space<vmem>>, vector<2000x128xf32>
    %get3A_2 = arith.constant 0 : index
    %get3A_3 = arith.constant 0 : index
    %get3A_4 = vector.load %arg1[%get3A_2, %get3A_3] : memref<1x1xf32, #tpu.memory_space<vmem>>, vector<1x1xf32>
    %get3A_5 = vector.extract %get3A_4[0, 0] : f32 from vector<1x1xf32>
    %mul3A = vector.broadcast %get3A_5 : f32 to vector<2000x128xf32>
    %mul3A_6 = arith.mulf %mul3A, %get3A_1 : vector<2000x128xf32>
    %get3A_7 = arith.constant 0 : index
    %get3A_8 = arith.constant 0 : index
    %get3A_9 = arith.constant 0 : index
    %get3A_10 = vector.load %arg3[%get3A_7, %get3A_8, %get3A_9] : memref<1x2000x128xf32, #tpu.memory_space<vmem>>, vector<1x2000x128xf32>
    %get3A_11 = vector.shape_cast %get3A_10 : vector<1x2000x128xf32> to vector<2000x128xf32>
    %add3A = arith.addf %mul3A_6, %get3A_11 : vector<2000x128xf32>
    %get3A_12 = arith.constant 0 : index
    %get3A_13 = arith.constant 0 : index
    %get3A_14 = arith.constant 0 : index
    %get3A_15 = vector.load %arg4[%get3A_12, %get3A_13, %get3A_14] : memref<1x2000x128xf32, #tpu.memory_space<vmem>>, vector<1x2000x128xf32>
    %get3A_16 = vector.shape_cast %get3A_15 : vector<1x2000x128xf32> to vector<2000x128xf32>
    %add3A_17 = arith.addf %add3A, %get3A_16 : vector<2000x128xf32>
    %get3A_18 = arith.constant 0 : index
    %get3A_19 = arith.constant 0 : index
    %get3A_20 = vector.load %arg5[%get3A_18, %get3A_19] : memref<128x128xf32, #tpu.memory_space<vmem>>, vector<128x128xf32>
    %dot_general3A = arith.constant dense<0.000000e+00> : vector<2000x128xf32>
    %dot_general3A_21 = tpu.matmul %add3A_17, %get3A_20, %dot_general3A {dimension_numbers = #tpu.dot_dimension_numbers<[1], [0], [0], [1], [0, 0, 1, 1], [], []>, precision = #tpu.contract_precision<fp32>, transpose_lhs_hint = false} : vector<2000x128xf32>, vector<128x128xf32>, vector<2000x128xf32> -> vector<2000x128xf32>
    %get3A_22 = arith.constant 0 : index
    %get3A_23 = arith.constant 0 : index
    %get3A_24 = vector.load %arg6[%get3A_22, %get3A_23] : memref<1x128xf32, #tpu.memory_space<vmem>>, vector<1x128xf32>
    %add3A_25 = vector.broadcast %get3A_24 : vector<1x128xf32> to vector<2000x128xf32>
    %add3A_26 = arith.addf %dot_general3A_21, %add3A_25 : vector<2000x128xf32>
    %get3A_27 = arith.constant 0 : index
    %get3A_28 = arith.constant 0 : index
    %get3A_29 = vector.load %arg7[%get3A_27, %get3A_28] : memref<1x128xf32, #tpu.memory_space<vmem>>, vector<1x128xf32>
    %get3A_30 = arith.constant 0 : index
    %get3A_31 = arith.constant 0 : index
    %get3A_32 = vector.load %arg8[%get3A_30, %get3A_31] : memref<1x128xf32, #tpu.memory_space<vmem>>, vector<1x128xf32>
    %reduce_sum3A = arith.constant dense<0.000000e+00> : vector<2000xf32>
    %reduce_sum3A_33 = vector.multi_reduction <add>, %add3A_26, %reduce_sum3A [1] : vector<2000x128xf32> to vector<2000xf32>
    %broadcast_in_dim3A = vector.shape_cast %reduce_sum3A_33 : vector<2000xf32> to vector<2000x1xf32>
    %div3A = arith.constant 1.280000e+02 : f32
    %div3A_34 = vector.broadcast %div3A : f32 to vector<2000x1xf32>
    %div3A_35 = arith.divf %broadcast_in_dim3A, %div3A_34 : vector<2000x1xf32>
    %sub3A = vector.broadcast %div3A_35 : vector<2000x1xf32> to vector<2000x128xf32>
    %sub3A_36 = arith.subf %add3A_26, %sub3A : vector<2000x128xf32>
    %integer_pow3A = arith.mulf %sub3A_36, %sub3A_36 : vector<2000x128xf32>
    %reduce_sum3A_37 = arith.constant dense<0.000000e+00> : vector<2000xf32>
    %reduce_sum3A_38 = vector.multi_reduction <add>, %integer_pow3A, %reduce_sum3A_37 [1] : vector<2000x128xf32> to vector<2000xf32>
    %broadcast_in_dim3A_39 = vector.shape_cast %reduce_sum3A_38 : vector<2000xf32> to vector<2000x1xf32>
    %div3A_40 = arith.constant 1.280000e+02 : f32
    %div3A_41 = vector.broadcast %div3A_40 : f32 to vector<2000x1xf32>
    %div3A_42 = arith.divf %broadcast_in_dim3A_39, %div3A_41 : vector<2000x1xf32>
    %sub3A_43 = vector.broadcast %div3A_35 : vector<2000x1xf32> to vector<2000x128xf32>
    %sub3A_44 = arith.subf %add3A_26, %sub3A_43 : vector<2000x128xf32>
    %add3A_45 = arith.constant 9.99999974E-6 : f32
    %add3A_46 = vector.broadcast %add3A_45 : f32 to vector<2000x1xf32>
    %add3A_47 = arith.addf %div3A_42, %add3A_46 : vector<2000x1xf32>
    %rsqrt3A = math.rsqrt %add3A_47 : vector<2000x1xf32>
    %mul3A_48 = vector.broadcast %rsqrt3A : vector<2000x1xf32> to vector<2000x128xf32>
    %mul3A_49 = arith.mulf %sub3A_44, %mul3A_48 : vector<2000x128xf32>
    %mul3A_50 = vector.broadcast %get3A_29 : vector<1x128xf32> to vector<2000x128xf32>
    %mul3A_51 = arith.mulf %mul3A_49, %mul3A_50 : vector<2000x128xf32>
    %add3A_52 = vector.broadcast %get3A_32 : vector<1x128xf32> to vector<2000x128xf32>
    %add3A_53 = arith.addf %mul3A_51, %add3A_52 : vector<2000x128xf32>
    %max3A = arith.constant 0.000000e+00 : f32
    %max3A_54 = vector.broadcast %max3A : f32 to vector<2000x128xf32>
    %max3A_55 = arith.maximumf %add3A_53, %max3A_54 : vector<2000x128xf32>
    %get3A_56 = arith.constant 0 : index
    %get3A_57 = arith.constant 0 : index
    %get3A_58 = vector.load %arg9[%get3A_56, %get3A_57] : memref<128x128xf32, #tpu.memory_space<vmem>>, vector<128x128xf32>
    %dot_general3A_59 = arith.constant dense<0.000000e+00> : vector<2000x128xf32>
    %dot_general3A_60 = tpu.matmul %max3A_55, %get3A_58, %dot_general3A_59 {dimension_numbers = #tpu.dot_dimension_numbers<[1], [0], [0], [1], [0, 0, 1, 1], [], []>, precision = #tpu.contract_precision<fp32>, transpose_lhs_hint = false} : vector<2000x128xf32>, vector<128x128xf32>, vector<2000x128xf32> -> vector<2000x128xf32>
    %get3A_61 = arith.constant 0 : index
    %get3A_62 = arith.constant 0 : index
    %get3A_63 = vector.load %arg10[%get3A_61, %get3A_62] : memref<1x128xf32, #tpu.memory_space<vmem>>, vector<1x128xf32>
    %add3A_64 = vector.broadcast %get3A_63 : vector<1x128xf32> to vector<2000x128xf32>
    %add3A_65 = arith.addf %dot_general3A_60, %add3A_64 : vector<2000x128xf32>
    %get3A_66 = arith.constant 0 : index
    %get3A_67 = arith.constant 0 : index
    %get3A_68 = vector.load %arg11[%get3A_66, %get3A_67] : memref<1x128xf32, #tpu.memory_space<vmem>>, vector<1x128xf32>
    %get3A_69 = arith.constant 0 : index
    %get3A_70 = arith.constant 0 : index
    %get3A_71 = vector.load %arg12[%get3A_69, %get3A_70] : memref<1x128xf32, #tpu.memory_space<vmem>>, vector<1x128xf32>
    %reduce_sum3A_72 = arith.constant dense<0.000000e+00> : vector<2000xf32>
    %reduce_sum3A_73 = vector.multi_reduction <add>, %add3A_65, %reduce_sum3A_72 [1] : vector<2000x128xf32> to vector<2000xf32>
    %broadcast_in_dim3A_74 = vector.shape_cast %reduce_sum3A_73 : vector<2000xf32> to vector<2000x1xf32>
    %div3A_75 = arith.constant 1.280000e+02 : f32
    %div3A_76 = vector.broadcast %div3A_75 : f32 to vector<2000x1xf32>
    %div3A_77 = arith.divf %broadcast_in_dim3A_74, %div3A_76 : vector<2000x1xf32>
    %sub3A_78 = vector.broadcast %div3A_77 : vector<2000x1xf32> to vector<2000x128xf32>
    %sub3A_79 = arith.subf %add3A_65, %sub3A_78 : vector<2000x128xf32>
    %integer_pow3A_80 = arith.mulf %sub3A_79, %sub3A_79 : vector<2000x128xf32>
    %reduce_sum3A_81 = arith.constant dense<0.000000e+00> : vector<2000xf32>
    %reduce_sum3A_82 = vector.multi_reduction <add>, %integer_pow3A_80, %reduce_sum3A_81 [1] : vector<2000x128xf32> to vector<2000xf32>
    %broadcast_in_dim3A_83 = vector.shape_cast %reduce_sum3A_82 : vector<2000xf32> to vector<2000x1xf32>
    %div3A_84 = arith.constant 1.280000e+02 : f32
    %div3A_85 = vector.broadcast %div3A_84 : f32 to vector<2000x1xf32>
    %div3A_86 = arith.divf %broadcast_in_dim3A_83, %div3A_85 : vector<2000x1xf32>
    %sub3A_87 = vector.broadcast %div3A_77 : vector<2000x1xf32> to vector<2000x128xf32>
    %sub3A_88 = arith.subf %add3A_65, %sub3A_87 : vector<2000x128xf32>
    %add3A_89 = arith.constant 9.99999974E-6 : f32
    %add3A_90 = vector.broadcast %add3A_89 : f32 to vector<2000x1xf32>
    %add3A_91 = arith.addf %div3A_86, %add3A_90 : vector<2000x1xf32>
    %rsqrt3A_92 = math.rsqrt %add3A_91 : vector<2000x1xf32>
    %mul3A_93 = vector.broadcast %rsqrt3A_92 : vector<2000x1xf32> to vector<2000x128xf32>
    %mul3A_94 = arith.mulf %sub3A_88, %mul3A_93 : vector<2000x128xf32>
    %mul3A_95 = vector.broadcast %get3A_68 : vector<1x128xf32> to vector<2000x128xf32>
    %mul3A_96 = arith.mulf %mul3A_94, %mul3A_95 : vector<2000x128xf32>
    %add3A_97 = vector.broadcast %get3A_71 : vector<1x128xf32> to vector<2000x128xf32>
    %add3A_98 = arith.addf %mul3A_96, %add3A_97 : vector<2000x128xf32>
    %max3A_99 = arith.constant 0.000000e+00 : f32
    %max3A_100 = vector.broadcast %max3A_99 : f32 to vector<2000x128xf32>
    %max3A_101 = arith.maximumf %add3A_98, %max3A_100 : vector<2000x128xf32>
    %add3A_102 = arith.addf %max3A_101, %get3A_1 : vector<2000x128xf32>
    %swap3A = arith.constant 0 : index
    %swap3A_103 = arith.constant 0 : index
    %swap3A_104 = vector.load %arg13[%swap3A, %swap3A_103] : memref<2000x128xf32, #tpu.memory_space<vmem>>, vector<2000x128xf32>
    tpu.vector_store %arg13[%swap3A, %swap3A_103], %add3A_102 {strides = array<i32>} : memref<2000x128xf32, #tpu.memory_space<vmem>>, vector<2000x128xf32>,
    return
  }
  func.func @transform_0(%arg0: i32) -> (i32, i32) {
    %c0_i32 = arith.constant 0 : i32
    %c0_i32_0 = arith.constant 0 : i32
    %c0_i32_1 = arith.constant 0 : i32
    return %c0_i32, %c0_i32_0 : i32, i32
  }
  func.func @transform_1(%arg0: i32) -> (i32, i32) {
    %c0_i32 = arith.constant 0 : i32
    %c0_i32_0 = arith.constant 0 : i32
    return %arg0, %c0_i32 : i32, i32
  }
  func.func @transform_2(%arg0: i32) -> (i32, i32, i32) {
    %c0_i32 = arith.constant 0 : i32
    %c0_i32_0 = arith.constant 0 : i32
    %c0_i32_1 = arith.constant 0 : i32
    return %c0_i32, %arg0, %c0_i32_0 : i32, i32, i32
  }
  func.func @transform_3(%arg0: i32) -> (i32, i32, i32) {
    %c1_i32 = arith.constant 1 : i32
    %c0_i32 = arith.constant 0 : i32
    %c0_i32_0 = arith.constant 0 : i32
    return %c1_i32, %arg0, %c0_i32 : i32, i32, i32
  }
  func.func @transform_4(%arg0: i32) -> (i32, i32) {
    %c0_i32 = arith.constant 0 : i32
    %c0_i32_0 = arith.constant 0 : i32
    %c0_i32_1 = arith.constant 0 : i32
    return %c0_i32, %c0_i32_0 : i32, i32
  }
  func.func @transform_5(%arg0: i32) -> (i32, i32) {
    %c0_i32 = arith.constant 0 : i32
    %c0_i32_0 = arith.constant 0 : i32
    %c0_i32_1 = arith.constant 0 : i32
    return %c0_i32, %c0_i32_0 : i32, i32
  }
  func.func @transform_6(%arg0: i32) -> (i32, i32) {
    %c0_i32 = arith.constant 0 : i32
    %c0_i32_0 = arith.constant 0 : i32
    %c0_i32_1 = arith.constant 0 : i32
    return %c0_i32, %c0_i32_0 : i32, i32
  }
  func.func @transform_7(%arg0: i32) -> (i32, i32) {
    %c0_i32 = arith.constant 0 : i32
    %c0_i32_0 = arith.constant 0 : i32
    %c0_i32_1 = arith.constant 0 : i32
    return %c0_i32, %c0_i32_0 : i32, i32
  }
  func.func @transform_8(%arg0: i32) -> (i32, i32) {
    %c0_i32 = arith.constant 0 : i32
    %c0_i32_0 = arith.constant 0 : i32
    %c0_i32_1 = arith.constant 0 : i32
    return %c0_i32, %c0_i32_0 : i32, i32
  }
  func.func @transform_9(%arg0: i32) -> (i32, i32) {
    %c0_i32 = arith.constant 0 : i32
    %c0_i32_0 = arith.constant 0 : i32
    %c0_i32_1 = arith.constant 0 : i32
    return %c0_i32, %c0_i32_0 : i32, i32
  }
  func.func @transform_10(%arg0: i32) -> (i32, i32) {
    %c0_i32 = arith.constant 0 : i32
    %c0_i32_0 = arith.constant 0 : i32
    %c0_i32_1 = arith.constant 0 : i32
    return %c0_i32, %c0_i32_0 : i32, i32
  }
  func.func @transform_11(%arg0: i32) -> (i32, i32) {
    %c0_i32 = arith.constant 0 : i32
    %c0_i32_0 = arith.constant 0 : i32
    %c0_i32_1 = arith.constant 0 : i32
    return %c0_i32, %c0_i32_0 : i32, i32
  }
  func.func @transform_12(%arg0: i32) -> (i32, i32) {
    %c0_i32 = arith.constant 0 : i32
    %c0_i32_0 = arith.constant 0 : i32
    return %arg0, %c0_i32 : i32, i32
  }
}

module attributes {stable_mosaic.version = 14 : i64} {
  func.func @_gin_score_body(%arg0: i32, %arg1: memref<1x1xf32, #tpu.memory_space<vmem>>, %arg2: memref<2000x128xf32, #tpu.memory_space<vmem>>, %arg3: memref<1x2000x128xf32, #tpu.memory_space<vmem>>, %arg4: memref<1x2000x128xf32, #tpu.memory_space<vmem>>, %arg5: memref<128x128xf32, #tpu.memory_space<vmem>>, %arg6: memref<1x128xf32, #tpu.memory_space<vmem>>, %arg7: memref<1x128xf32, #tpu.memory_space<vmem>>, %arg8: memref<1x128xf32, #tpu.memory_space<vmem>>, %arg9: memref<128x128xf32, #tpu.memory_space<vmem>>, %arg10: memref<1x128xf32, #tpu.memory_space<vmem>>, %arg11: memref<1x128xf32, #tpu.memory_space<vmem>>, %arg12: memref<1x128xf32, #tpu.memory_space<vmem>>, %arg13: memref<128x512xf32, #tpu.memory_space<vmem>>, %arg14: memref<1x512xf32, #tpu.memory_space<vmem>>, %arg15: memref<4x128xf32, #tpu.memory_space<vmem>>, %arg16: memref<1x4xf32, #tpu.memory_space<vmem>>, %arg17: memref<2000x128xf32, #tpu.memory_space<vmem>>, %arg18: memref<2000x4xf32, #tpu.memory_space<vmem>>) attributes {dimension_semantics = [#tpu.dimension_semantics<arbitrary>], iteration_bounds = array<i64: 5>, scalar_prefetch = 0 : i64, scratch_operands = 0 : i64, tpu.core_type = #tpu.core_type<tc>, window_params = [{pipeline_mode = #tpu.pipeline_mode<synchronous>, transform_indices = @transform_0, window_bounds = array<i64: 1, 1>}, {transform_indices = @transform_1, window_bounds = array<i64: 2000, 128>}, {transform_indices = @transform_2, window_bounds = array<i64: 1, 2000, 128>}, {transform_indices = @transform_3, window_bounds = array<i64: 1, 2000, 128>}, {pipeline_mode = #tpu.pipeline_mode<synchronous>, transform_indices = @transform_4, window_bounds = array<i64: 128, 128>}, {pipeline_mode = #tpu.pipeline_mode<synchronous>, transform_indices = @transform_5, window_bounds = array<i64: 1, 128>}, {pipeline_mode = #tpu.pipeline_mode<synchronous>, transform_indices = @transform_6, window_bounds = array<i64: 1, 128>}, {pipeline_mode = #tpu.pipeline_mode<synchronous>, transform_indices = @transform_7, window_bounds = array<i64: 1, 128>}, {pipeline_mode = #tpu.pipeline_mode<synchronous>, transform_indices = @transform_8, window_bounds = array<i64: 128, 128>}, {pipeline_mode = #tpu.pipeline_mode<synchronous>, transform_indices = @transform_9, window_bounds = array<i64: 1, 128>}, {pipeline_mode = #tpu.pipeline_mode<synchronous>, transform_indices = @transform_10, window_bounds = array<i64: 1, 128>}, {pipeline_mode = #tpu.pipeline_mode<synchronous>, transform_indices = @transform_11, window_bounds = array<i64: 1, 128>}, {pipeline_mode = #tpu.pipeline_mode<synchronous>, transform_indices = @transform_12, window_bounds = array<i64: 128, 512>}, {pipeline_mode = #tpu.pipeline_mode<synchronous>, transform_indices = @transform_13, window_bounds = array<i64: 1, 512>}, {pipeline_mode = #tpu.pipeline_mode<synchronous>, transform_indices = @transform_14, window_bounds = array<i64: 4, 128>}, {pipeline_mode = #tpu.pipeline_mode<synchronous>, transform_indices = @transform_15, window_bounds = array<i64: 1, 4>}, {transform_indices = @transform_16, window_bounds = array<i64: 2000, 128>}, {transform_indices = @transform_17, window_bounds = array<i64: 2000, 4>}]} {
    %get3A = arith.constant 0 : index
    %get3A_0 = arith.constant 0 : index
    %get3A_1 = vector.load %arg2[%get3A, %get3A_0] : memref<2000x128xf32, #tpu.memory_space<vmem>>, vector<2000x128xf32>
    %get3A_2 = arith.constant 0 : index
    %get3A_3 = arith.constant 0 : index
    %get3A_4 = vector.load %arg1[%get3A_2, %get3A_3] : memref<1x1xf32, #tpu.memory_space<vmem>>, vector<1x1xf32>
    %get3A_5 = vector.extract %get3A_4[0, 0] : f32 from vector<1x1xf32>
    %mul3A = vector.broadcast %get3A_5 : f32 to vector<2000x128xf32>
    %mul3A_6 = arith.mulf %mul3A, %get3A_1 : vector<2000x128xf32>
    %get3A_7 = arith.constant 0 : index
    %get3A_8 = arith.constant 0 : index
    %get3A_9 = arith.constant 0 : index
    %get3A_10 = vector.load %arg3[%get3A_7, %get3A_8, %get3A_9] : memref<1x2000x128xf32, #tpu.memory_space<vmem>>, vector<1x2000x128xf32>
    %get3A_11 = vector.shape_cast %get3A_10 : vector<1x2000x128xf32> to vector<2000x128xf32>
    %add3A = arith.addf %mul3A_6, %get3A_11 : vector<2000x128xf32>
    %get3A_12 = arith.constant 0 : index
    %get3A_13 = arith.constant 0 : index
    %get3A_14 = arith.constant 0 : index
    %get3A_15 = vector.load %arg4[%get3A_12, %get3A_13, %get3A_14] : memref<1x2000x128xf32, #tpu.memory_space<vmem>>, vector<1x2000x128xf32>
    %get3A_16 = vector.shape_cast %get3A_15 : vector<1x2000x128xf32> to vector<2000x128xf32>
    %add3A_17 = arith.addf %add3A, %get3A_16 : vector<2000x128xf32>
    %get3A_18 = arith.constant 0 : index
    %get3A_19 = arith.constant 0 : index
    %get3A_20 = vector.load %arg5[%get3A_18, %get3A_19] : memref<128x128xf32, #tpu.memory_space<vmem>>, vector<128x128xf32>
    %dot_general3A = arith.constant dense<0.000000e+00> : vector<2000x128xf32>
    %dot_general3A_21 = tpu.matmul %add3A_17, %get3A_20, %dot_general3A {dimension_numbers = #tpu.dot_dimension_numbers<[1], [0], [0], [1], [0, 0, 1, 1], [], []>, precision = #tpu.contract_precision<fp32>, transpose_lhs_hint = false} : vector<2000x128xf32>, vector<128x128xf32>, vector<2000x128xf32> -> vector<2000x128xf32>
    %get3A_22 = arith.constant 0 : index
    %get3A_23 = arith.constant 0 : index
    %get3A_24 = vector.load %arg6[%get3A_22, %get3A_23] : memref<1x128xf32, #tpu.memory_space<vmem>>, vector<1x128xf32>
    %add3A_25 = vector.broadcast %get3A_24 : vector<1x128xf32> to vector<2000x128xf32>
    %add3A_26 = arith.addf %dot_general3A_21, %add3A_25 : vector<2000x128xf32>
    %get3A_27 = arith.constant 0 : index
    %get3A_28 = arith.constant 0 : index
    %get3A_29 = vector.load %arg7[%get3A_27, %get3A_28] : memref<1x128xf32, #tpu.memory_space<vmem>>, vector<1x128xf32>
    %get3A_30 = arith.constant 0 : index
    %get3A_31 = arith.constant 0 : index
    %get3A_32 = vector.load %arg8[%get3A_30, %get3A_31] : memref<1x128xf32, #tpu.memory_space<vmem>>, vector<1x128xf32>
    %reduce_sum3A = arith.constant dense<0.000000e+00> : vector<2000xf32>
    %reduce_sum3A_33 = vector.multi_reduction <add>, %add3A_26, %reduce_sum3A [1] : vector<2000x128xf32> to vector<2000xf32>
    %broadcast_in_dim3A = vector.shape_cast %reduce_sum3A_33 : vector<2000xf32> to vector<2000x1xf32>
    %div3A = arith.constant 1.280000e+02 : f32
    %div3A_34 = vector.broadcast %div3A : f32 to vector<2000x1xf32>
    %div3A_35 = arith.divf %broadcast_in_dim3A, %div3A_34 : vector<2000x1xf32>
    %sub3A = vector.broadcast %div3A_35 : vector<2000x1xf32> to vector<2000x128xf32>
    %sub3A_36 = arith.subf %add3A_26, %sub3A : vector<2000x128xf32>
    %integer_pow3A = arith.mulf %sub3A_36, %sub3A_36 : vector<2000x128xf32>
    %reduce_sum3A_37 = arith.constant dense<0.000000e+00> : vector<2000xf32>
    %reduce_sum3A_38 = vector.multi_reduction <add>, %integer_pow3A, %reduce_sum3A_37 [1] : vector<2000x128xf32> to vector<2000xf32>
    %broadcast_in_dim3A_39 = vector.shape_cast %reduce_sum3A_38 : vector<2000xf32> to vector<2000x1xf32>
    %div3A_40 = arith.constant 1.280000e+02 : f32
    %div3A_41 = vector.broadcast %div3A_40 : f32 to vector<2000x1xf32>
    %div3A_42 = arith.divf %broadcast_in_dim3A_39, %div3A_41 : vector<2000x1xf32>
    %sub3A_43 = vector.broadcast %div3A_35 : vector<2000x1xf32> to vector<2000x128xf32>
    %sub3A_44 = arith.subf %add3A_26, %sub3A_43 : vector<2000x128xf32>
    %add3A_45 = arith.constant 9.99999974E-6 : f32
    %add3A_46 = vector.broadcast %add3A_45 : f32 to vector<2000x1xf32>
    %add3A_47 = arith.addf %div3A_42, %add3A_46 : vector<2000x1xf32>
    %rsqrt3A = math.rsqrt %add3A_47 : vector<2000x1xf32>
    %mul3A_48 = vector.broadcast %rsqrt3A : vector<2000x1xf32> to vector<2000x128xf32>
    %mul3A_49 = arith.mulf %sub3A_44, %mul3A_48 : vector<2000x128xf32>
    %mul3A_50 = vector.broadcast %get3A_29 : vector<1x128xf32> to vector<2000x128xf32>
    %mul3A_51 = arith.mulf %mul3A_49, %mul3A_50 : vector<2000x128xf32>
    %add3A_52 = vector.broadcast %get3A_32 : vector<1x128xf32> to vector<2000x128xf32>
    %add3A_53 = arith.addf %mul3A_51, %add3A_52 : vector<2000x128xf32>
    %max3A = arith.constant 0.000000e+00 : f32
    %max3A_54 = vector.broadcast %max3A : f32 to vector<2000x128xf32>
    %max3A_55 = arith.maximumf %add3A_53, %max3A_54 : vector<2000x128xf32>
    %get3A_56 = arith.constant 0 : index
    %get3A_57 = arith.constant 0 : index
    %get3A_58 = vector.load %arg9[%get3A_56, %get3A_57] : memref<128x128xf32, #tpu.memory_space<vmem>>, vector<128x128xf32>
    %dot_general3A_59 = arith.constant dense<0.000000e+00> : vector<2000x128xf32>
    %dot_general3A_60 = tpu.matmul %max3A_55, %get3A_58, %dot_general3A_59 {dimension_numbers = #tpu.dot_dimension_numbers<[1], [0], [0], [1], [0, 0, 1, 1], [], []>, precision = #tpu.contract_precision<fp32>, transpose_lhs_hint = false} : vector<2000x128xf32>, vector<128x128xf32>, vector<2000x128xf32> -> vector<2000x128xf32>
    %get3A_61 = arith.constant 0 : index
    %get3A_62 = arith.constant 0 : index
    %get3A_63 = vector.load %arg10[%get3A_61, %get3A_62] : memref<1x128xf32, #tpu.memory_space<vmem>>, vector<1x128xf32>
    %add3A_64 = vector.broadcast %get3A_63 : vector<1x128xf32> to vector<2000x128xf32>
    %add3A_65 = arith.addf %dot_general3A_60, %add3A_64 : vector<2000x128xf32>
    %get3A_66 = arith.constant 0 : index
    %get3A_67 = arith.constant 0 : index
    %get3A_68 = vector.load %arg11[%get3A_66, %get3A_67] : memref<1x128xf32, #tpu.memory_space<vmem>>, vector<1x128xf32>
    %get3A_69 = arith.constant 0 : index
    %get3A_70 = arith.constant 0 : index
    %get3A_71 = vector.load %arg12[%get3A_69, %get3A_70] : memref<1x128xf32, #tpu.memory_space<vmem>>, vector<1x128xf32>
    %reduce_sum3A_72 = arith.constant dense<0.000000e+00> : vector<2000xf32>
    %reduce_sum3A_73 = vector.multi_reduction <add>, %add3A_65, %reduce_sum3A_72 [1] : vector<2000x128xf32> to vector<2000xf32>
    %broadcast_in_dim3A_74 = vector.shape_cast %reduce_sum3A_73 : vector<2000xf32> to vector<2000x1xf32>
    %div3A_75 = arith.constant 1.280000e+02 : f32
    %div3A_76 = vector.broadcast %div3A_75 : f32 to vector<2000x1xf32>
    %div3A_77 = arith.divf %broadcast_in_dim3A_74, %div3A_76 : vector<2000x1xf32>
    %sub3A_78 = vector.broadcast %div3A_77 : vector<2000x1xf32> to vector<2000x128xf32>
    %sub3A_79 = arith.subf %add3A_65, %sub3A_78 : vector<2000x128xf32>
    %integer_pow3A_80 = arith.mulf %sub3A_79, %sub3A_79 : vector<2000x128xf32>
    %reduce_sum3A_81 = arith.constant dense<0.000000e+00> : vector<2000xf32>
    %reduce_sum3A_82 = vector.multi_reduction <add>, %integer_pow3A_80, %reduce_sum3A_81 [1] : vector<2000x128xf32> to vector<2000xf32>
    %broadcast_in_dim3A_83 = vector.shape_cast %reduce_sum3A_82 : vector<2000xf32> to vector<2000x1xf32>
    %div3A_84 = arith.constant 1.280000e+02 : f32
    %div3A_85 = vector.broadcast %div3A_84 : f32 to vector<2000x1xf32>
    %div3A_86 = arith.divf %broadcast_in_dim3A_83, %div3A_85 : vector<2000x1xf32>
    %sub3A_87 = vector.broadcast %div3A_77 : vector<2000x1xf32> to vector<2000x128xf32>
    %sub3A_88 = arith.subf %add3A_65, %sub3A_87 : vector<2000x128xf32>
    %add3A_89 = arith.constant 9.99999974E-6 : f32
    %add3A_90 = vector.broadcast %add3A_89 : f32 to vector<2000x1xf32>
    %add3A_91 = arith.addf %div3A_86, %add3A_90 : vector<2000x1xf32>
    %rsqrt3A_92 = math.rsqrt %add3A_91 : vector<2000x1xf32>
    %mul3A_93 = vector.broadcast %rsqrt3A_92 : vector<2000x1xf32> to vector<2000x128xf32>
    %mul3A_94 = arith.mulf %sub3A_88, %mul3A_93 : vector<2000x128xf32>
    %mul3A_95 = vector.broadcast %get3A_68 : vector<1x128xf32> to vector<2000x128xf32>
    %mul3A_96 = arith.mulf %mul3A_94, %mul3A_95 : vector<2000x128xf32>
    %add3A_97 = vector.broadcast %get3A_71 : vector<1x128xf32> to vector<2000x128xf32>
    %add3A_98 = arith.addf %mul3A_96, %add3A_97 : vector<2000x128xf32>
    %max3A_99 = arith.constant 0.000000e+00 : f32
    %max3A_100 = vector.broadcast %max3A_99 : f32 to vector<2000x128xf32>
    %max3A_101 = arith.maximumf %add3A_98, %max3A_100 : vector<2000x128xf32>
    %add3A_102 = arith.addf %max3A_101, %get3A_1 : vector<2000x128xf32>
    %swap3A = arith.constant 0 : index
    %swap3A_103 = arith.constant 0 : index
    %swap3A_104 = vector.load %arg17[%swap3A, %swap3A_103] : memref<2000x128xf32, #tpu.memory_space<vmem>>, vector<2000x128xf32>
    tpu.vector_store %arg17[%swap3A, %swap3A_103], %add3A_102 {strides = array<i32>} : memref<2000x128xf32, #tpu.memory_space<vmem>>, vector<2000x128xf32>,
    %get3A_105 = arith.constant 0 : index
    %get3A_106 = arith.constant 0 : index
    %get3A_107 = vector.load %arg13[%get3A_105, %get3A_106] : memref<128x512xf32, #tpu.memory_space<vmem>>, vector<128x512xf32>
    %dot_general3A_108 = arith.constant dense<0.000000e+00> : vector<2000x512xf32>
    %dot_general3A_109 = tpu.matmul %add3A_102, %get3A_107, %dot_general3A_108 {dimension_numbers = #tpu.dot_dimension_numbers<[1], [0], [0], [1], [0, 0, 1, 1], [], []>, precision = #tpu.contract_precision<fp32>, transpose_lhs_hint = false} : vector<2000x128xf32>, vector<128x512xf32>, vector<2000x512xf32> -> vector<2000x512xf32>
    %get3A_110 = arith.constant 0 : index
    %get3A_111 = arith.constant 0 : index
    %get3A_112 = vector.load %arg14[%get3A_110, %get3A_111] : memref<1x512xf32, #tpu.memory_space<vmem>>, vector<1x512xf32>
    %add3A_113 = vector.broadcast %get3A_112 : vector<1x512xf32> to vector<2000x512xf32>
    %add3A_114 = arith.addf %dot_general3A_109, %add3A_113 : vector<2000x512xf32>
    %tanh3A = math.tanh %add3A_114 : vector<2000x512xf32>
    %reshape3A = vector.shape_cast %tanh3A : vector<2000x512xf32> to vector<2000x4x128xf32>
    %get3A_115 = arith.constant 0 : index
    %get3A_116 = arith.constant 0 : index
    %get3A_117 = vector.load %arg15[%get3A_115, %get3A_116] : memref<4x128xf32, #tpu.memory_space<vmem>>, vector<4x128xf32>
    %broadcast_in_dim3A_118 = vector.shape_cast %get3A_117 : vector<4x128xf32> to vector<1x4x128xf32>
    %mul3A_119 = vector.broadcast %broadcast_in_dim3A_118 : vector<1x4x128xf32> to vector<2000x4x128xf32>
    %mul3A_120 = arith.mulf %reshape3A, %mul3A_119 : vector<2000x4x128xf32>
    %reduce_sum3A_121 = arith.constant dense<0.000000e+00> : vector<2000x4xf32>
    %reduce_sum3A_122 = vector.multi_reduction <add>, %mul3A_120, %reduce_sum3A_121 [2] : vector<2000x4x128xf32> to vector<2000x4xf32>
    %get3A_123 = arith.constant 0 : index
    %get3A_124 = arith.constant 0 : index
    %get3A_125 = vector.load %arg16[%get3A_123, %get3A_124] : memref<1x4xf32, #tpu.memory_space<vmem>>, vector<1x4xf32>
    %add3A_126 = vector.broadcast %get3A_125 : vector<1x4xf32> to vector<2000x4xf32>
    %add3A_127 = arith.addf %reduce_sum3A_122, %add3A_126 : vector<2000x4xf32>
    %swap3A_128 = arith.constant 0 : index
    %swap3A_129 = arith.constant 0 : index
    %swap3A_130 = vector.load %arg18[%swap3A_128, %swap3A_129] : memref<2000x4xf32, #tpu.memory_space<vmem>>, vector<2000x4xf32>
    tpu.vector_store %arg18[%swap3A_128, %swap3A_129], %add3A_127 {strides = array<i32>} : memref<2000x4xf32, #tpu.memory_space<vmem>>, vector<2000x4xf32>,
    return
  }
  func.func @transform_0(%arg0: i32) -> (i32, i32) {
    %c0_i32 = arith.constant 0 : i32
    %c0_i32_0 = arith.constant 0 : i32
    %c0_i32_1 = arith.constant 0 : i32
    return %c0_i32, %c0_i32_0 : i32, i32
  }
  func.func @transform_1(%arg0: i32) -> (i32, i32) {
    %c0_i32 = arith.constant 0 : i32
    %c0_i32_0 = arith.constant 0 : i32
    return %arg0, %c0_i32 : i32, i32
  }
  func.func @transform_2(%arg0: i32) -> (i32, i32, i32) {
    %c0_i32 = arith.constant 0 : i32
    %c0_i32_0 = arith.constant 0 : i32
    %c0_i32_1 = arith.constant 0 : i32
    return %c0_i32, %arg0, %c0_i32_0 : i32, i32, i32
  }
  func.func @transform_3(%arg0: i32) -> (i32, i32, i32) {
    %c1_i32 = arith.constant 1 : i32
    %c0_i32 = arith.constant 0 : i32
    %c0_i32_0 = arith.constant 0 : i32
    return %c1_i32, %arg0, %c0_i32 : i32, i32, i32
  }
  func.func @transform_4(%arg0: i32) -> (i32, i32) {
    %c0_i32 = arith.constant 0 : i32
    %c0_i32_0 = arith.constant 0 : i32
    %c0_i32_1 = arith.constant 0 : i32
    return %c0_i32, %c0_i32_0 : i32, i32
  }
  func.func @transform_5(%arg0: i32) -> (i32, i32) {
    %c0_i32 = arith.constant 0 : i32
    %c0_i32_0 = arith.constant 0 : i32
    %c0_i32_1 = arith.constant 0 : i32
    return %c0_i32, %c0_i32_0 : i32, i32
  }
  func.func @transform_6(%arg0: i32) -> (i32, i32) {
    %c0_i32 = arith.constant 0 : i32
    %c0_i32_0 = arith.constant 0 : i32
    %c0_i32_1 = arith.constant 0 : i32
    return %c0_i32, %c0_i32_0 : i32, i32
  }
  func.func @transform_7(%arg0: i32) -> (i32, i32) {
    %c0_i32 = arith.constant 0 : i32
    %c0_i32_0 = arith.constant 0 : i32
    %c0_i32_1 = arith.constant 0 : i32
    return %c0_i32, %c0_i32_0 : i32, i32
  }
  func.func @transform_8(%arg0: i32) -> (i32, i32) {
    %c0_i32 = arith.constant 0 : i32
    %c0_i32_0 = arith.constant 0 : i32
    %c0_i32_1 = arith.constant 0 : i32
    return %c0_i32, %c0_i32_0 : i32, i32
  }
  func.func @transform_9(%arg0: i32) -> (i32, i32) {
    %c0_i32 = arith.constant 0 : i32
    %c0_i32_0 = arith.constant 0 : i32
    %c0_i32_1 = arith.constant 0 : i32
    return %c0_i32, %c0_i32_0 : i32, i32
  }
  func.func @transform_10(%arg0: i32) -> (i32, i32) {
    %c0_i32 = arith.constant 0 : i32
    %c0_i32_0 = arith.constant 0 : i32
    %c0_i32_1 = arith.constant 0 : i32
    return %c0_i32, %c0_i32_0 : i32, i32
  }
  func.func @transform_11(%arg0: i32) -> (i32, i32) {
    %c0_i32 = arith.constant 0 : i32
    %c0_i32_0 = arith.constant 0 : i32
    %c0_i32_1 = arith.constant 0 : i32
    return %c0_i32, %c0_i32_0 : i32, i32
  }
  func.func @transform_12(%arg0: i32) -> (i32, i32) {
    %c0_i32 = arith.constant 0 : i32
    %c0_i32_0 = arith.constant 0 : i32
    %c0_i32_1 = arith.constant 0 : i32
    return %c0_i32, %c0_i32_0 : i32, i32
  }
  func.func @transform_13(%arg0: i32) -> (i32, i32) {
    %c0_i32 = arith.constant 0 : i32
    %c0_i32_0 = arith.constant 0 : i32
    %c0_i32_1 = arith.constant 0 : i32
    return %c0_i32, %c0_i32_0 : i32, i32
  }
  func.func @transform_14(%arg0: i32) -> (i32, i32) {
    %c0_i32 = arith.constant 0 : i32
    %c0_i32_0 = arith.constant 0 : i32
    %c0_i32_1 = arith.constant 0 : i32
    return %c0_i32, %c0_i32_0 : i32, i32
  }
  func.func @transform_15(%arg0: i32) -> (i32, i32) {
    %c0_i32 = arith.constant 0 : i32
    %c0_i32_0 = arith.constant 0 : i32
    %c0_i32_1 = arith.constant 0 : i32
    return %c0_i32, %c0_i32_0 : i32, i32
  }
  func.func @transform_16(%arg0: i32) -> (i32, i32) {
    %c0_i32 = arith.constant 0 : i32
    %c0_i32_0 = arith.constant 0 : i32
    return %arg0, %c0_i32 : i32, i32
  }
  func.func @transform_17(%arg0: i32) -> (i32, i32) {
    %c0_i32 = arith.constant 0 : i32
    %c0_i32_0 = arith.constant 0 : i32
    return %arg0, %c0_i32 : i32, i32
  }
}

module attributes {stable_mosaic.version = 14 : i64} {
  func.func @_pool_body(%arg0: i32, %arg1: memref<10000x4xf32, #tpu.memory_space<vmem>>, %arg2: memref<2000x128xf32, #tpu.memory_space<vmem>>, %arg3: memref<128x128xf32, #tpu.memory_space<vmem>>, %arg4: memref<1x128xf32, #tpu.memory_space<vmem>>, %arg5: memref<1x128xf32, #tpu.memory_space<vmem>>, %arg6: memref<1x128xf32, #tpu.memory_space<vmem>>, %arg7: memref<128x64xf32, #tpu.memory_space<vmem>>, %arg8: memref<1x64xf32, #tpu.memory_space<vmem>>, %arg9: memref<1x64xf32, #tpu.memory_space<vmem>>, %arg10: memref<1x64xf32, #tpu.memory_space<vmem>>, %arg11: memref<64x7xf32, #tpu.memory_space<vmem>>, %arg12: memref<1x7xf32, #tpu.memory_space<vmem>>, %arg13: memref<2000x4xf32, #tpu.memory_space<vmem>>, %arg14: memref<1x7xf32, #tpu.memory_space<vmem>>, %arg15: memref<4x128xf32, #tpu.memory_space<vmem>>, %arg16: memref<2x4xf32, #tpu.memory_space<vmem>>) attributes {dimension_semantics = [#tpu.dimension_semantics<arbitrary>], iteration_bounds = array<i64: 5>, scalar_prefetch = 0 : i64, scratch_operands = 2 : i64, tpu.core_type = #tpu.core_type<tc>, window_params = [{pipeline_mode = #tpu.pipeline_mode<synchronous>, transform_indices = @transform_0, window_bounds = array<i64: 10000, 4>}, {transform_indices = @transform_1, window_bounds = array<i64: 2000, 128>}, {pipeline_mode = #tpu.pipeline_mode<synchronous>, transform_indices = @transform_2, window_bounds = array<i64: 128, 128>}, {pipeline_mode = #tpu.pipeline_mode<synchronous>, transform_indices = @transform_3, window_bounds = array<i64: 1, 128>}, {pipeline_mode = #tpu.pipeline_mode<synchronous>, transform_indices = @transform_4, window_bounds = array<i64: 1, 128>}, {pipeline_mode = #tpu.pipeline_mode<synchronous>, transform_indices = @transform_5, window_bounds = array<i64: 1, 128>}, {pipeline_mode = #tpu.pipeline_mode<synchronous>, transform_indices = @transform_6, window_bounds = array<i64: 128, 64>}, {pipeline_mode = #tpu.pipeline_mode<synchronous>, transform_indices = @transform_7, window_bounds = array<i64: 1, 64>}, {pipeline_mode = #tpu.pipeline_mode<synchronous>, transform_indices = @transform_8, window_bounds = array<i64: 1, 64>}, {pipeline_mode = #tpu.pipeline_mode<synchronous>, transform_indices = @transform_9, window_bounds = array<i64: 1, 64>}, {pipeline_mode = #tpu.pipeline_mode<synchronous>, transform_indices = @transform_10, window_bounds = array<i64: 64, 7>}, {pipeline_mode = #tpu.pipeline_mode<synchronous>, transform_indices = @transform_11, window_bounds = array<i64: 1, 7>}, {transform_indices = @transform_12, window_bounds = array<i64: 2000, 4>}, {pipeline_mode = #tpu.pipeline_mode<synchronous>, transform_indices = @transform_13, window_bounds = array<i64: 1, 7>}]} {
    %eq3A = arith.constant 0 : i32
    %eq3A_0 = arith.cmpi eq, %arg0, %eq3A : i32
    %convert_element_type3A = arith.extui %eq3A_0 : i1 to i32
    %cond3A = arith.constant 0 : i32
    %cond3A_1 = arith.cmpi ne, %convert_element_type3A, %cond3A : i32
    scf.if %cond3A_1 {
      %get3A_30 = arith.constant 0 : index
      %get3A_31 = arith.constant 0 : index
      %get3A_32 = vector.load %arg1[%get3A_30, %get3A_31] : memref<10000x4xf32, #tpu.memory_space<vmem>>, vector<10000x4xf32>
      %reduce_max3A = arith.constant dense<0xFF800000> : vector<4xf32>
      %reduce_max3A_33 = vector.multi_reduction <maximumf>, %get3A_32, %reduce_max3A [0] : vector<10000x4xf32> to vector<4xf32>
      %broadcast_in_dim3A = vector.shape_cast %reduce_max3A_33 : vector<4xf32> to vector<1x4xf32>
      %sub3A_34 = vector.broadcast %broadcast_in_dim3A : vector<1x4xf32> to vector<10000x4xf32>
      %sub3A_35 = arith.subf %get3A_32, %sub3A_34 : vector<10000x4xf32>
      %exp3A_36 = math.exp %sub3A_35 : vector<10000x4xf32>
      %reduce_sum3A = arith.constant dense<0.000000e+00> : vector<4xf32>
      %reduce_sum3A_37 = vector.multi_reduction <add>, %exp3A_36, %reduce_sum3A [0] : vector<10000x4xf32> to vector<4xf32>
      %broadcast_in_dim3A_38 = vector.shape_cast %reduce_sum3A_37 : vector<4xf32> to vector<1x4xf32>
      %swap3A_39 = arith.constant 0 : index
      %swap3A_40 = arith.constant 0 : index
      %swap3A_41 = vector.load %arg16[%swap3A_39, %swap3A_40] : memref<2x4xf32, #tpu.memory_space<vmem>>, vector<1x4xf32>
      tpu.vector_store %arg16[%swap3A_39, %swap3A_40], %broadcast_in_dim3A {strides = array<i32>} : memref<2x4xf32, #tpu.memory_space<vmem>>, vector<1x4xf32>,
      %swap3A_42 = arith.constant 1 : index
      %swap3A_43 = arith.constant 0 : index
      %swap3A_44 = vector.load %arg16[%swap3A_42, %swap3A_43] : memref<2x4xf32, #tpu.memory_space<vmem>>, vector<1x4xf32>
      tpu.vector_store %arg16[%swap3A_42, %swap3A_43], %broadcast_in_dim3A_38 {strides = array<i32>} : memref<2x4xf32, #tpu.memory_space<vmem>>, vector<1x4xf32>,
      %broadcast_in_dim3A_45 = arith.constant 0.000000e+00 : f32
      %broadcast_in_dim3A_46 = vector.broadcast %broadcast_in_dim3A_45 : f32 to vector<4x128xf32>
      %swap3A_47 = arith.constant 0 : index
      %swap3A_48 = arith.constant 0 : index
      %swap3A_49 = vector.load %arg15[%swap3A_47, %swap3A_48] : memref<4x128xf32, #tpu.memory_space<vmem>>, vector<4x128xf32>
      tpu.vector_store %arg15[%swap3A_47, %swap3A_48], %broadcast_in_dim3A_46 {strides = array<i32>} : memref<4x128xf32, #tpu.memory_space<vmem>>, vector<4x128xf32>,
    } else {
    }
    %get3A = arith.constant 0 : index
    %get3A_2 = arith.constant 0 : index
    %get3A_3 = vector.load %arg16[%get3A, %get3A_2] : memref<2x4xf32, #tpu.memory_space<vmem>>, vector<1x4xf32>
    %get3A_4 = arith.constant 1 : index
    %get3A_5 = arith.constant 0 : index
    %get3A_6 = vector.load %arg16[%get3A_4, %get3A_5] : memref<2x4xf32, #tpu.memory_space<vmem>>, vector<1x4xf32>
    %mul3A = arith.constant 2000 : i32
    %mul3A_7 = arith.muli %arg0, %mul3A : i32
    %get3A_8 = arith.index_cast %mul3A_7 : i32 to index
    %get3A_9 = arith.constant 0 : index
    %get3A_10 = vector.load %arg1[%get3A_8, %get3A_9] : memref<10000x4xf32, #tpu.memory_space<vmem>>, vector<2000x4xf32>
    %sub3A = vector.broadcast %get3A_3 : vector<1x4xf32> to vector<2000x4xf32>
    %sub3A_11 = arith.subf %get3A_10, %sub3A : vector<2000x4xf32>
    %exp3A = math.exp %sub3A_11 : vector<2000x4xf32>
    %div3A = vector.broadcast %get3A_6 : vector<1x4xf32> to vector<2000x4xf32>
    %div3A_12 = arith.divf %exp3A, %div3A : vector<2000x4xf32>
    %swap3A = arith.constant 0 : index
    %swap3A_13 = arith.constant 0 : index
    %swap3A_14 = vector.load %arg13[%swap3A, %swap3A_13] : memref<2000x4xf32, #tpu.memory_space<vmem>>, vector<2000x4xf32>
    tpu.vector_store %arg13[%swap3A, %swap3A_13], %div3A_12 {strides = array<i32>} : memref<2000x4xf32, #tpu.memory_space<vmem>>, vector<2000x4xf32>,
    %get3A_15 = arith.constant 0 : index
    %get3A_16 = arith.constant 0 : index
    %get3A_17 = vector.load %arg15[%get3A_15, %get3A_16] : memref<4x128xf32, #tpu.memory_space<vmem>>, vector<4x128xf32>
    %get3A_18 = arith.constant 0 : index
    %get3A_19 = arith.constant 0 : index
    %get3A_20 = vector.load %arg2[%get3A_18, %get3A_19] : memref<2000x128xf32, #tpu.memory_space<vmem>>, vector<2000x128xf32>
    %dot_general3A = arith.constant dense<0.000000e+00> : vector<4x128xf32>
    %dot_general3A_21 = tpu.matmul %exp3A, %get3A_20, %dot_general3A {dimension_numbers = #tpu.dot_dimension_numbers<[0], [0], [1], [1], [0, 1, 1, 1], [], []>, precision = #tpu.contract_precision<fp32>, transpose_lhs_hint = false} : vector<2000x4xf32>, vector<2000x128xf32>, vector<4x128xf32> -> vector<4x128xf32>
    %add3A = arith.addf %get3A_17, %dot_general3A_21 : vector<4x128xf32>
    %swap3A_22 = arith.constant 0 : index
    %swap3A_23 = arith.constant 0 : index
    %swap3A_24 = vector.load %arg15[%swap3A_22, %swap3A_23] : memref<4x128xf32, #tpu.memory_space<vmem>>, vector<4x128xf32>
    tpu.vector_store %arg15[%swap3A_22, %swap3A_23], %add3A {strides = array<i32>} : memref<4x128xf32, #tpu.memory_space<vmem>>, vector<4x128xf32>,
    %eq3A_25 = arith.constant 4 : i32
    %eq3A_26 = arith.cmpi eq, %arg0, %eq3A_25 : i32
    %convert_element_type3A_27 = arith.extui %eq3A_26 : i1 to i32
    %cond3A_28 = arith.constant 0 : i32
    %cond3A_29 = arith.cmpi ne, %convert_element_type3A_27, %cond3A_28 : i32
    scf.if %cond3A_29 {
      %div3A_30 = arith.constant 2.500000e-01 : f32
      %div3A_31 = vector.broadcast %div3A_30 : f32 to vector<1x4xf32>
      %div3A_32 = arith.divf %div3A_31, %get3A_6 : vector<1x4xf32>
      %get3A_33 = arith.constant 0 : index
      %get3A_34 = arith.constant 0 : index
      %get3A_35 = vector.load %arg15[%get3A_33, %get3A_34] : memref<4x128xf32, #tpu.memory_space<vmem>>, vector<4x128xf32>
      %dot_general3A_36 = arith.constant dense<0.000000e+00> : vector<1x128xf32>
      %dot_general3A_37 = tpu.matmul %div3A_32, %get3A_35, %dot_general3A_36 {dimension_numbers = #tpu.dot_dimension_numbers<[1], [0], [0], [1], [0, 0, 1, 1], [], []>, precision = #tpu.contract_precision<fp32>, transpose_lhs_hint = false} : vector<1x4xf32>, vector<4x128xf32>, vector<1x128xf32> -> vector<1x128xf32>
      %get3A_38 = arith.constant 0 : index
      %get3A_39 = arith.constant 0 : index
      %get3A_40 = vector.load %arg3[%get3A_38, %get3A_39] : memref<128x128xf32, #tpu.memory_space<vmem>>, vector<128x128xf32>
      %dot_general3A_41 = arith.constant dense<0.000000e+00> : vector<1x128xf32>
      %dot_general3A_42 = tpu.matmul %dot_general3A_37, %get3A_40, %dot_general3A_41 {dimension_numbers = #tpu.dot_dimension_numbers<[1], [0], [0], [1], [0, 0, 1, 1], [], []>, precision = #tpu.contract_precision<fp32>, transpose_lhs_hint = false} : vector<1x128xf32>, vector<128x128xf32>, vector<1x128xf32> -> vector<1x128xf32>
      %get3A_43 = arith.constant 0 : index
      %get3A_44 = arith.constant 0 : index
      %get3A_45 = vector.load %arg4[%get3A_43, %get3A_44] : memref<1x128xf32, #tpu.memory_space<vmem>>, vector<1x128xf32>
      %add3A_46 = arith.addf %dot_general3A_42, %get3A_45 : vector<1x128xf32>
      %get3A_47 = arith.constant 0 : index
      %get3A_48 = arith.constant 0 : index
      %get3A_49 = vector.load %arg5[%get3A_47, %get3A_48] : memref<1x128xf32, #tpu.memory_space<vmem>>, vector<1x128xf32>
      %get3A_50 = arith.constant 0 : index
      %get3A_51 = arith.constant 0 : index
      %get3A_52 = vector.load %arg6[%get3A_50, %get3A_51] : memref<1x128xf32, #tpu.memory_space<vmem>>, vector<1x128xf32>
      %reduce_sum3A = arith.constant dense<0.000000e+00> : vector<1xf32>
      %reduce_sum3A_53 = vector.multi_reduction <add>, %add3A_46, %reduce_sum3A [1] : vector<1x128xf32> to vector<1xf32>
      %broadcast_in_dim3A = vector.shape_cast %reduce_sum3A_53 : vector<1xf32> to vector<1x1xf32>
      %div3A_54 = arith.constant 1.280000e+02 : f32
      %div3A_55 = vector.broadcast %div3A_54 : f32 to vector<1x1xf32>
      %div3A_56 = arith.divf %broadcast_in_dim3A, %div3A_55 : vector<1x1xf32>
      %sub3A_57 = vector.broadcast %div3A_56 : vector<1x1xf32> to vector<1x128xf32>
      %sub3A_58 = arith.subf %add3A_46, %sub3A_57 : vector<1x128xf32>
      %integer_pow3A = arith.mulf %sub3A_58, %sub3A_58 : vector<1x128xf32>
      %reduce_sum3A_59 = arith.constant dense<0.000000e+00> : vector<1xf32>
      %reduce_sum3A_60 = vector.multi_reduction <add>, %integer_pow3A, %reduce_sum3A_59 [1] : vector<1x128xf32> to vector<1xf32>
      %broadcast_in_dim3A_61 = vector.shape_cast %reduce_sum3A_60 : vector<1xf32> to vector<1x1xf32>
      %div3A_62 = arith.constant 1.280000e+02 : f32
      %div3A_63 = vector.broadcast %div3A_62 : f32 to vector<1x1xf32>
      %div3A_64 = arith.divf %broadcast_in_dim3A_61, %div3A_63 : vector<1x1xf32>
      %sub3A_65 = vector.broadcast %div3A_56 : vector<1x1xf32> to vector<1x128xf32>
      %sub3A_66 = arith.subf %add3A_46, %sub3A_65 : vector<1x128xf32>
      %add3A_67 = arith.constant 9.99999974E-6 : f32
      %add3A_68 = vector.broadcast %add3A_67 : f32 to vector<1x1xf32>
      %add3A_69 = arith.addf %div3A_64, %add3A_68 : vector<1x1xf32>
      %rsqrt3A = math.rsqrt %add3A_69 : vector<1x1xf32>
      %mul3A_70 = vector.broadcast %rsqrt3A : vector<1x1xf32> to vector<1x128xf32>
      %mul3A_71 = arith.mulf %sub3A_66, %mul3A_70 : vector<1x128xf32>
      %mul3A_72 = arith.mulf %mul3A_71, %get3A_49 : vector<1x128xf32>
      %add3A_73 = arith.addf %mul3A_72, %get3A_52 : vector<1x128xf32>
      %max3A = arith.constant 0.000000e+00 : f32
      %max3A_74 = vector.broadcast %max3A : f32 to vector<1x128xf32>
      %max3A_75 = arith.maximumf %add3A_73, %max3A_74 : vector<1x128xf32>
      %get3A_76 = arith.constant 0 : index
      %get3A_77 = arith.constant 0 : index
      %get3A_78 = vector.load %arg7[%get3A_76, %get3A_77] : memref<128x64xf32, #tpu.memory_space<vmem>>, vector<128x64xf32>
      %dot_general3A_79 = arith.constant dense<0.000000e+00> : vector<1x64xf32>
      %dot_general3A_80 = tpu.matmul %max3A_75, %get3A_78, %dot_general3A_79 {dimension_numbers = #tpu.dot_dimension_numbers<[1], [0], [0], [1], [0, 0, 1, 1], [], []>, precision = #tpu.contract_precision<fp32>, transpose_lhs_hint = false} : vector<1x128xf32>, vector<128x64xf32>, vector<1x64xf32> -> vector<1x64xf32>
      %get3A_81 = arith.constant 0 : index
      %get3A_82 = arith.constant 0 : index
      %get3A_83 = vector.load %arg8[%get3A_81, %get3A_82] : memref<1x64xf32, #tpu.memory_space<vmem>>, vector<1x64xf32>
      %add3A_84 = arith.addf %dot_general3A_80, %get3A_83 : vector<1x64xf32>
      %get3A_85 = arith.constant 0 : index
      %get3A_86 = arith.constant 0 : index
      %get3A_87 = vector.load %arg9[%get3A_85, %get3A_86] : memref<1x64xf32, #tpu.memory_space<vmem>>, vector<1x64xf32>
      %get3A_88 = arith.constant 0 : index
      %get3A_89 = arith.constant 0 : index
      %get3A_90 = vector.load %arg10[%get3A_88, %get3A_89] : memref<1x64xf32, #tpu.memory_space<vmem>>, vector<1x64xf32>
      %reduce_sum3A_91 = arith.constant dense<0.000000e+00> : vector<1xf32>
      %reduce_sum3A_92 = vector.multi_reduction <add>, %add3A_84, %reduce_sum3A_91 [1] : vector<1x64xf32> to vector<1xf32>
      %broadcast_in_dim3A_93 = vector.shape_cast %reduce_sum3A_92 : vector<1xf32> to vector<1x1xf32>
      %div3A_94 = arith.constant 6.400000e+01 : f32
      %div3A_95 = vector.broadcast %div3A_94 : f32 to vector<1x1xf32>
      %div3A_96 = arith.divf %broadcast_in_dim3A_93, %div3A_95 : vector<1x1xf32>
      %sub3A_97 = vector.broadcast %div3A_96 : vector<1x1xf32> to vector<1x64xf32>
      %sub3A_98 = arith.subf %add3A_84, %sub3A_97 : vector<1x64xf32>
      %integer_pow3A_99 = arith.mulf %sub3A_98, %sub3A_98 : vector<1x64xf32>
      %reduce_sum3A_100 = arith.constant dense<0.000000e+00> : vector<1xf32>
      %reduce_sum3A_101 = vector.multi_reduction <add>, %integer_pow3A_99, %reduce_sum3A_100 [1] : vector<1x64xf32> to vector<1xf32>
      %broadcast_in_dim3A_102 = vector.shape_cast %reduce_sum3A_101 : vector<1xf32> to vector<1x1xf32>
      %div3A_103 = arith.constant 6.400000e+01 : f32
      %div3A_104 = vector.broadcast %div3A_103 : f32 to vector<1x1xf32>
      %div3A_105 = arith.divf %broadcast_in_dim3A_102, %div3A_104 : vector<1x1xf32>
      %sub3A_106 = vector.broadcast %div3A_96 : vector<1x1xf32> to vector<1x64xf32>
      %sub3A_107 = arith.subf %add3A_84, %sub3A_106 : vector<1x64xf32>
      %add3A_108 = arith.constant 9.99999974E-6 : f32
      %add3A_109 = vector.broadcast %add3A_108 : f32 to vector<1x1xf32>
      %add3A_110 = arith.addf %div3A_105, %add3A_109 : vector<1x1xf32>
      %rsqrt3A_111 = math.rsqrt %add3A_110 : vector<1x1xf32>
      %mul3A_112 = vector.broadcast %rsqrt3A_111 : vector<1x1xf32> to vector<1x64xf32>
      %mul3A_113 = arith.mulf %sub3A_107, %mul3A_112 : vector<1x64xf32>
      %mul3A_114 = arith.mulf %mul3A_113, %get3A_87 : vector<1x64xf32>
      %add3A_115 = arith.addf %mul3A_114, %get3A_90 : vector<1x64xf32>
      %max3A_116 = arith.constant 0.000000e+00 : f32
      %max3A_117 = vector.broadcast %max3A_116 : f32 to vector<1x64xf32>
      %max3A_118 = arith.maximumf %add3A_115, %max3A_117 : vector<1x64xf32>
      %get3A_119 = arith.constant 0 : index
      %get3A_120 = arith.constant 0 : index
      %get3A_121 = vector.load %arg11[%get3A_119, %get3A_120] : memref<64x7xf32, #tpu.memory_space<vmem>>, vector<64x7xf32>
      %dot_general3A_122 = arith.constant dense<0.000000e+00> : vector<1x7xf32>
      %dot_general3A_123 = tpu.matmul %max3A_118, %get3A_121, %dot_general3A_122 {dimension_numbers = #tpu.dot_dimension_numbers<[1], [0], [0], [1], [0, 0, 1, 1], [], []>, precision = #tpu.contract_precision<fp32>, transpose_lhs_hint = false} : vector<1x64xf32>, vector<64x7xf32>, vector<1x7xf32> -> vector<1x7xf32>
      %get3A_124 = arith.constant 0 : index
      %get3A_125 = arith.constant 0 : index
      %get3A_126 = vector.load %arg12[%get3A_124, %get3A_125] : memref<1x7xf32, #tpu.memory_space<vmem>>, vector<1x7xf32>
      %add3A_127 = arith.addf %dot_general3A_123, %get3A_126 : vector<1x7xf32>
      %reduce_max3A = arith.constant dense<0xFF800000> : vector<1xf32>
      %reduce_max3A_128 = vector.multi_reduction <maximumf>, %add3A_127, %reduce_max3A [1] : vector<1x7xf32> to vector<1xf32>
      %broadcast_in_dim3A_129 = vector.shape_cast %reduce_max3A_128 : vector<1xf32> to vector<1x1xf32>
      %sub3A_130 = vector.broadcast %broadcast_in_dim3A_129 : vector<1x1xf32> to vector<1x7xf32>
      %sub3A_131 = arith.subf %add3A_127, %sub3A_130 : vector<1x7xf32>
      %exp3A_132 = math.exp %sub3A_131 : vector<1x7xf32>
      %reduce_sum3A_133 = arith.constant dense<0.000000e+00> : vector<1xf32>
      %reduce_sum3A_134 = vector.multi_reduction <add>, %exp3A_132, %reduce_sum3A_133 [1] : vector<1x7xf32> to vector<1xf32>
      %broadcast_in_dim3A_135 = vector.shape_cast %reduce_sum3A_134 : vector<1xf32> to vector<1x1xf32>
      %div3A_136 = vector.broadcast %broadcast_in_dim3A_135 : vector<1x1xf32> to vector<1x7xf32>
      %div3A_137 = arith.divf %exp3A_132, %div3A_136 : vector<1x7xf32>
      %swap3A_138 = arith.constant 0 : index
      %swap3A_139 = arith.constant 0 : index
      %swap3A_140 = vector.load %arg14[%swap3A_138, %swap3A_139] : memref<1x7xf32, #tpu.memory_space<vmem>>, vector<1x7xf32>
      tpu.vector_store %arg14[%swap3A_138, %swap3A_139], %div3A_137 {strides = array<i32>} : memref<1x7xf32, #tpu.memory_space<vmem>>, vector<1x7xf32>,
    } else {
    }
    return
  }
  func.func @transform_0(%arg0: i32) -> (i32, i32) {
    %c0_i32 = arith.constant 0 : i32
    %c0_i32_0 = arith.constant 0 : i32
    %c0_i32_1 = arith.constant 0 : i32
    return %c0_i32, %c0_i32_0 : i32, i32
  }
  func.func @transform_1(%arg0: i32) -> (i32, i32) {
    %c0_i32 = arith.constant 0 : i32
    %c0_i32_0 = arith.constant 0 : i32
    return %arg0, %c0_i32 : i32, i32
  }
  func.func @transform_2(%arg0: i32) -> (i32, i32) {
    %c0_i32 = arith.constant 0 : i32
    %c0_i32_0 = arith.constant 0 : i32
    %c0_i32_1 = arith.constant 0 : i32
    return %c0_i32, %c0_i32_0 : i32, i32
  }
  func.func @transform_3(%arg0: i32) -> (i32, i32) {
    %c0_i32 = arith.constant 0 : i32
    %c0_i32_0 = arith.constant 0 : i32
    %c0_i32_1 = arith.constant 0 : i32
    return %c0_i32, %c0_i32_0 : i32, i32
  }
  func.func @transform_4(%arg0: i32) -> (i32, i32) {
    %c0_i32 = arith.constant 0 : i32
    %c0_i32_0 = arith.constant 0 : i32
    %c0_i32_1 = arith.constant 0 : i32
    return %c0_i32, %c0_i32_0 : i32, i32
  }
  func.func @transform_5(%arg0: i32) -> (i32, i32) {
    %c0_i32 = arith.constant 0 : i32
    %c0_i32_0 = arith.constant 0 : i32
    %c0_i32_1 = arith.constant 0 : i32
    return %c0_i32, %c0_i32_0 : i32, i32
  }
  func.func @transform_6(%arg0: i32) -> (i32, i32) {
    %c0_i32 = arith.constant 0 : i32
    %c0_i32_0 = arith.constant 0 : i32
    %c0_i32_1 = arith.constant 0 : i32
    return %c0_i32, %c0_i32_0 : i32, i32
  }
  func.func @transform_7(%arg0: i32) -> (i32, i32) {
    %c0_i32 = arith.constant 0 : i32
    %c0_i32_0 = arith.constant 0 : i32
    %c0_i32_1 = arith.constant 0 : i32
    return %c0_i32, %c0_i32_0 : i32, i32
  }
  func.func @transform_8(%arg0: i32) -> (i32, i32) {
    %c0_i32 = arith.constant 0 : i32
    %c0_i32_0 = arith.constant 0 : i32
    %c0_i32_1 = arith.constant 0 : i32
    return %c0_i32, %c0_i32_0 : i32, i32
  }
  func.func @transform_9(%arg0: i32) -> (i32, i32) {
    %c0_i32 = arith.constant 0 : i32
    %c0_i32_0 = arith.constant 0 : i32
    %c0_i32_1 = arith.constant 0 : i32
    return %c0_i32, %c0_i32_0 : i32, i32
  }
  func.func @transform_10(%arg0: i32) -> (i32, i32) {
    %c0_i32 = arith.constant 0 : i32
    %c0_i32_0 = arith.constant 0 : i32
    %c0_i32_1 = arith.constant 0 : i32
    return %c0_i32, %c0_i32_0 : i32, i32
  }
  func.func @transform_11(%arg0: i32) -> (i32, i32) {
    %c0_i32 = arith.constant 0 : i32
    %c0_i32_0 = arith.constant 0 : i32
    %c0_i32_1 = arith.constant 0 : i32
    return %c0_i32, %c0_i32_0 : i32, i32
  }
  func.func @transform_12(%arg0: i32) -> (i32, i32) {
    %c0_i32 = arith.constant 0 : i32
    %c0_i32_0 = arith.constant 0 : i32
    return %arg0, %c0_i32 : i32, i32
  }
  func.func @transform_13(%arg0: i32) -> (i32, i32) {
    %c0_i32 = arith.constant 0 : i32
    %c0_i32_0 = arith.constant 0 : i32
    %c0_i32_1 = arith.constant 0 : i32
    return %c0_i32, %c0_i32_0 : i32, i32
  }
}

</mosaic_0001>

<sc_bundles>
// kernel: kernel.10.cloned.1.call-start
scs
__scs_entry_jumppad:
0x0: {  	(pc) =	sbr.rel $0x88, $3  }
0x1: {  	(tag) =	ssettag $0x0;
	lr =	simm.s32 $0x1  }
0x2: {  	[smem:$0x3F73] =	sst lr;
	_ =	strace $0xD0000000  }
0x3: {  	_ = 	snop  }
0x4: {  	_ = 	snop  }
0x5: {  	_ = 	snop  }
0x6: {  	_ = 	snop  }
0x7: {  	_ = 	snop  }
__scs_overlays_trampoline_lowered:
0x8: {  	[smem:$0x3F82] =	sst s0  }
0x9: {  	[smem:$0x3F83] =	sst s1  }
0xa: {  	[smem:$0x3F84] =	sst s2  }
0xb: {  	[smem:$0x3F85] =	sst s3  }
0xc: {  	[smem:$0x3F86] =	sst s4  }
0xd: {  	[smem:$0x3F87] =	sst s5  }
0xe: {  	[smem:$0x3F88] =	sst s6  }
0xf: {  	[smem:$0x3F89] =	sst s7  }
0x10: {  	[smem:$0x3F8A] =	sst s8  }
0x11: {  	[smem:$0x3F8B] =	sst s9;
	s0 =	simm.s32 @!p0 $0x0  }
0x12: {  	s1 =	sld [smem:$0x3F71];
	s0 =	simm.s32 @p0 $0x1  }
0x13: {  	[smem:$0x3F8C] =	sst s0;
	s0 =	simm.s32 @!p1 $0x0  }
0x14: {  	s2 =	sld [smem:$0x3F70];
	s0 =	simm.s32 @p1 $0x1  }
0x15: {  	[smem:$0x3F8D] =	sst s0;
	s0 =	simm.s32 @!p2 $0x0  }
0x16: {  	s3 =	sld [smem:$0x3FDB];
	s0 =	simm.s32 @p2 $0x1  }
0x17: {  	s4 =	simm.s32 $0x1BF5;
	[smem:$0x3F8F] =	sst s0  }
0x18: {  	s0 =	sld [smem:$0x3F72];
	_ =	swait.ge [sflag:s4], $0x0  }
0x19: {  	s7 =	sld [smem:$0x3F73]  }
0x1a: {  	s8 =	sadd.s32 $0xFFFFE003, lr  }
0x1b: {  	s9 =	sadd.s32 $0xFFFFFEF7, lr;
	s5 =	simm.s32 $0xFFFFFFFF;
	p2 =	slt.u32 s8, $0xFFFFF086  }
0x1c: {  	p1 =	slt.u32 s9, $0xF7A;
	s5 =	simm.s32 @!p2 $0x0  }
0x1d: {  	s5 =	simm.s32 @p1 $0x1;
	p0 =	seq.s32 s7, s2  }
0x1e: {  	s7 =	smul.u32 @!p0 $0xF7A, s2;
	p2 =	seq.s32 @!p0 s5, $0x0  }
0x1f: {  	s9 =	smul.u32 $0xF7A, s1;
	s8 =	simm.s32 @!p0 $0x1BF5;
	p2 =	por !p2, p0  }
0x20: {  	[sflag:s8] =	ssyncset.s32 @!p0 $0xFFFFF086;
	s6 =	sadd.s32 @!p0 s3, s7;
	s7 =	simm.s32 @!p0 $0x108  }
0x21: {  	s3 =	sadd.s32 s3, s9;
	s6 =	sadd.s32 @!p0 $0x88, s6;
	s7 =	simm.s32 @p2 $0x1082  }
0x22: {  	[simem:s7], [sflag:s8] =	dma.local @!p0 [hbm:s6], $0xF7A  }
0x23: {  	s9 =	sor.u32 $0xD0000000, s2;
	s6 =	simm.s32 $0x108;
	_ =	swait.ge @!p0 [sflag:s8], $0x0  }
0x24: {  	s3 =	sadd.s32 $0x88, s3;
	s6 =	simm.s32 @!p1 $0x1082;
	[sflag:s4] =	ssyncset.s32 $0xFFFFF086  }
0x25: {  	[simem:s6], [sflag:s4] =	dma.local [hbm:s3], $0xF7A  }
0x26: {  	[smem:$0x3F73] =	sst s1;
	(tag) =	ssettag s2;
	_ =	strace s9  }
0x27: {  	s1 =	sld [smem:$0x3F83]  }
0x28: {  	s2 =	sld [smem:$0x3F84]  }
0x29: {  	s4 =	sld [smem:$0x3F86]  }
0x2a: {  	p0 =	seq.s32 s5, $0x0;
	s5 =	sld [smem:$0x3F87]  }
0x2b: {  	s6 =	sld [smem:$0x3F88]  }
0x2c: {  	s7 =	sld [smem:$0x3F89]  }
0x2d: {  	s3 =	simm.s32 $0x108;
	s8 =	sld [smem:$0x3F8A]  }
0x2e: {  	s3 =	simm.s32 @!p0 $0x1082;
	s9 =	sld [smem:$0x3F8B]  }
0x2f: {  	lr =	sadd.s32 s0, s3;
	s0 =	sld [smem:$0x3F82]  }
0x30: {  	s3 =	sld [smem:$0x3F85]  }
0x31: {  	[smem:$0x3F8E] =	sst s10  }
0x32: {  	s10 =	sld [smem:$0x3F8C];
	_ =	sdelay $0x3  }
0x33: {  	p0 =	seq.s32 s10, $0x1;
	s10 =	sld [smem:$0x3F8E];
	_ =	sdelay $0x3  }
0x34: {  	[smem:$0x3F8E] =	sst s10  }
0x35: {  	s10 =	sld [smem:$0x3F8D];
	_ =	sdelay $0x3  }
0x36: {  	p1 =	seq.s32 s10, $0x1;
	s10 =	sld [smem:$0x3F8E];
	_ =	sdelay $0x3  }
0x37: {  	[smem:$0x3F8E] =	sst s10  }
0x38: {  	s10 =	sld [smem:$0x3F8F]  }
0x39: {  	_ = 	snop;
	(pc) =	sbr.ind lr, $3  }
0x3a: {  	_ = 	snop  }
0x3b: {  	_ = 	snop  }
0x3c: {  	p2 =	seq.s32 s10, $0x1;
	s10 =	sld [smem:$0x3F8E]  }
0x3d: {  	_ =	shalt  }
0x3e: {  	_ =	shalt  }
0x3f: {  	_ =	shalt  }
0x40: {  	_ =	shalt  }
0x41: {  	_ =	shalt  }
0x42: {  	_ =	shalt  }
0x43: {  	_ =	shalt  }
0x44: {  	_ =	shalt  }
0x45: {  	_ =	shalt  }
0x46: {  	_ =	shalt  }
0x47: {  	_ =	shalt  }
0x48: {  	_ =	shalt  }
0x49: {  	_ =	shalt  }
0x4a: {  	_ =	shalt  }
0x4b: {  	_ =	shalt  }
0x4c: {  	_ =	shalt  }
0x4d: {  	_ =	shalt  }
0x4e: {  	_ =	shalt  }
0x4f: {  	_ =	shalt  }
0x50: {  	_ =	shalt  }
0x51: {  	_ =	shalt  }
0x52: {  	_ =	shalt  }
0x53: {  	_ =	shalt  }
0x54: {  	_ =	shalt  }
0x55: {  	_ =	shalt  }
0x56: {  	_ =	shalt  }
0x57: {  	_ =	shalt  }
0x58: {  	_ =	shalt  }
0x59: {  	_ =	shalt  }
0x5a: {  	_ =	shalt  }
0x5b: {  	_ =	shalt  }
0x5c: {  	_ =	shalt  }
0x5d: {  	_ =	shalt  }
0x5e: {  	_ =	shalt  }
0x5f: {  	_ =	shalt  }
0x60: {  	_ =	shalt  }
0x61: {  	_ =	shalt  }
0x62: {  	_ =	shalt  }
0x63: {  	_ =	shalt  }
0x64: {  	_ =	shalt  }
0x65: {  	_ =	shalt  }
0x66: {  	_ =	shalt  }
0x67: {  	_ =	shalt  }
0x68: {  	_ =	shalt  }
0x69: {  	_ =	shalt  }
0x6a: {  	_ =	shalt  }
0x6b: {  	_ =	shalt  }
0x6c: {  	_ =	shalt  }
0x6d: {  	_ =	shalt  }
0x6e: {  	_ =	shalt  }
0x6f: {  	_ =	shalt  }
0x70: {  	_ =	shalt  }
0x71: {  	_ =	shalt  }
0x72: {  	_ =	shalt  }
0x73: {  	_ =	shalt  }
0x74: {  	_ =	shalt  }
0x75: {  	_ =	shalt  }
0x76: {  	_ =	shalt  }
0x77: {  	_ =	shalt  }
0x78: {  	_ =	shalt  }
0x79: {  	_ =	shalt  }
0x7a: {  	_ =	shalt  }
0x7b: {  	_ =	shalt  }
0x7c: {  	_ =	shalt  }
0x7d: {  	_ =	shalt  }
0x7e: {  	_ =	shalt  }
0x7f: {  	_ =	shalt  }
0x80: {  	_ =	shalt  }
0x81: {  	_ =	shalt  }
0x82: {  	_ =	shalt  }
0x83: {  	_ =	shalt  }
0x84: {  	_ =	shalt  }
0x85: {  	_ =	shalt  }
0x86: {  	_ =	shalt  }
0x87: {  	_ =	shalt  }
.Lfunc_end0:
.L_simem_size_0:
called_computation.1_lowered:
.L_overlay_start_0:
0x88: {  	s2 =	sld [smem:$0x3FD9]  }
0x89: {  	s3 =	sld [smem:$0x3FFE];
	_ =	sdelay $0x1  }
0x8a: {  	s1 =	srdreg.scid  }
0x8b: {  	s0 =	sand.u32 $0x1, s1  }
0x8c: {  	s16 =	sshll.u32 s0, $0xA;
	s2 =	sadd.s32 s3, s2  }
0x8d: {  	s2 =	sadd.s32 s2, s16  }
0x8e: {  	[smem:$0x3F9A] =	sst s2  }
0x8f: {  	_ = 	snop  }
0x90: {  	(tm) =	ssettm $0x1  }
0x91: {  	s17 =	sld [smem:$0x3FFB];
	_ =	sdelay $0x3  }
0x92: {  	_ =	strace s17  }
0x93: {  	s2 =	sld [smem:$0x3FFC];
	_ =	sdelay $0x3  }
0x94: {  	_ =	strace s2  }
0x95: {  	s2 =	sld [smem:$0x3FFD];
	_ =	sdelay $0x3  }
0x96: {  	_ =	strace s2  }
0x97: {  	_ =	strace $0x8FFFFFFF  }
0x98: {  	s18 =	sld [smem:$0x3FDB];
	_ =	sdelay $0x1  }
0x99: {  	s19 =	simm.s32 $_scs_section_size  }
0x9a: {  	s4 =	simm.s32 $_size__tile_overlayer_lowered;
	s5 =	simm.s32 $_tile_overlayer_lowered  }
0x9b: {  	s22 =	simm.s32 $0x1BFF;
	s21 =	sshll.u32 s5, $0x1;
	s2 =	sadd.s32 s19, s18  }
0x9c: {  	s6 =	simm.s32 $0x0;
	s20 =	sshll.u32 s4, $0x1;
	s4 =	sadd.s32 s21, s2  }
0x9d: {  	[timem:s6], [sflag:s22] =	dma.local [hbm:s4], s20  }
0x9e: {  	_ =	swait.ge [sflag:s22], s20  }
0x9f: {  	s3 =	ssub.s32 $0x0, s20;
	[sflag:s22] =	ssyncset.done $0x0  }
0xa0: {  	[sflag:s22] =	ssyncadd.s32 s3;
	_ =	sdelay $0x1  }
0xa1: {  	s23 =	simm.s32 $0x1B8B  }
0xa2: {  	_ =	swait.ge [sflag:s23], $0x1  }
0xa3: {  	[sflag:s23] =	ssyncset.done $0x0  }
0xa4: {  	s25 =	simm.s32 $0x1B8E;
	s24 =	sld [smem:$0x3FFE];
	[sflag:s23] =	ssyncadd.s32 $0xFFFFFFFF  }
0xa5: {  	s26 =	simm.s32 $execute0_lowered;
	[smem:$0x3FD2] =	sst s25  }
0xa6: {  	s4 =	sshll.u32 s26, $0x1;
	_ =	strace $0x80000049;
	[dreg:$0x1] =	wrdreg $0xFFFFFFFF  }
0xa7: {  	s28 =	simm.s32 $_size_execute0_lowered;
	s2 =	sadd.s32 s2, s4;
	[dreg:$0x0] =	wrdreg $0x0  }
0xa8: {  	s4 =	sshll.u32 s28, $0x1;
	[dreg:$0x2] =	wrdreg s2  }
0xa9: {  	[dreg:$0x3] =	wrdreg s4  }
0xaa: {  	[dreg:$0x4] =	wrdreg $0xC0  }
0xab: {  	_ =	task [dreg:s6], $0x5FFFF  }
0xac: {  	[dreg:$0x1] =	wrdreg $0xFFFFFFFF  }
0xad: {  	[dreg:$0x0] =	wrdreg $0x60  }
0xae: {  	[dreg:$0x2] =	wrdreg s24  }
0xaf: {  	[dreg:$0x3] =	wrdreg $0x90000  }
0xb0: {  	[dreg:$0x4] =	wrdreg $0x9  }
0xb1: {  	_ =	task.clear_ibuf [dreg:s6], $0x5FFFF;
	_ =	strace $0x90000049  }
0xb2: {  	s29 =	simm.s32 $0x9;
	_ =	strace $0x8000004B  }
0xb3: {  	_ =	swait.ge [sflag:s29], $0x1  }
0xb4: {  	[sflag:s29] =	ssyncadd.s32 $0xFFFFFFFF  }
0xb5: {  	_ =	strace $0x9000004B  }
0xb6: {  	_ =	sfence  }
0xb7: {  	s30 =	sld [smem:$0x0];
	_ =	sdelay $0x2  }
0xb8: {  	s31 =	sshll.u32 s1, $0xD;
	s1 =	sshrl.u32 s1, $0x2  }
0xb9: {  	s3 =	sand.u32 $0x4000, s31;
	s1 =	sadd.s32 s1, s30  }
0xba: {  	s0 =	sor.u32 s3, s0;
	s1 =	sshll.u32 s1, $0x11  }
0xbb: {  	s0 =	sor.u32 s1, s0  }
0xbc: {  	s0 =	sadd.s32 $0x8F2B, s0  }
0xbd: {  	[sflag:s0] =	ssyncadd.remote.s32 $0x1  }
0xbe: {  	_ =	sfence.sel $0xFFFF  }
0xbf: {  	[dreg:$0x0] =	wrdreg $0xFFFFFFFF;
	(pc) =	sbr.abs _section_cstart, $3  }
0xc0: {  	[dreg:$0x1] =	wrdreg $0xFFFFFFFF  }
0xc1: {  	_ =	task.clear_ibuf [dreg:s6], $0x2FFFF;
	_ =	strace $0x9FFFFFFF  }
0xc2: {  	(tm) =	ssettm $0x7FFFFFFF  }
0xc3: {  	_ =	shalt  }
tec
execute0_lowered:
.L_overlay_start_1:
0x0: {  	(tag) =	ssettag $0x1  }
0x1: {  	s5 =	rddreg [dreg:$0x0]  }
0x2: {  	s1 =	rddreg [dreg:$0x1]  }
0x3: {  	s2 =	srdreg.scid;
	s0 =	rddreg [dreg:$0x2]  }
0x4: {  	s3 =	simm.s32 $0x0;
	s21 =	simm.s32 $0x80;
	s22 =	simm.s32 $0x1  }
0x5: {  	s23 =	simm.s32 $0x0;
	s7 =	sand.u32 $0x1, s2;
	s2 =	stileid.u32  }
0x6: {  	[smem:$0x7FF] =	sst s3;
	s17 =	sadd.s32 $0x41000, s5;
	s10 =	smul.u32 $0x50000, s2  }
0x7: {  	s4 =	sshll.u32 s7, $0x4;
	_ =	strace $0x8000004A;
	s12 =	smul.u32 $0x14000, s2  }
0x8: {  	s8 =	ssub.s32 $0x2, s7;
	s15 =	smul.u32 $0x140000, s7;
	s4 =	sor.u32 s2, s4  }
0x9: {  	s9 =	sshrl.u32 s8, $0x1;
	s6 =	smul.u32 $0x500, s4;
	s4 =	sadd.s32 $0x19E00, s5  }
0xa: {  	s8 =	ssub.s32 s8, s9;
	s31 =	sshrl.u32 s10, $0x2;
	s13 =	sadd.s32 $0x4000, s12  }
0xb: {  	s16 =	sadd.s32 $0x8000, s12;
	s18 =	sadd.s32 $0xC000, s12;
	s14 =	sadd.s32 s15, s12  }
0xc: {  	s19 =	sadd.s32 $0x10000, s12;
	s7 =	sadd.s32 s31, s1;
	s8 =	smax.u32 s8, $0x1  }
0xd: {  	s9 =	sadd.s32 s13, s1;
	s10 =	sadd.s32 s16, s1;
	s11 =	sadd.s32 s18, s1  }
0xe: {  	s13 =	sadd.s32 s15, s13;
	s14 =	sshrl.u32 s14, $0x3;
	s12 =	sadd.s32 s19, s1  }
0xf: {  	s16 =	sadd.s32 s15, s16;
	s18 =	sadd.s32 s15, s18;
	s15 =	sadd.s32 s15, s19  }
0x10: {  	s6 =	sadd.s32 s6, s5;
	s20 =	sshrl.u32 s13, $0x3;
	s13 =	sadd.s32 s17, s14  }
0x11: {  	s16 =	sshrl.u32 s16, $0x3;
	s18 =	sshrl.u32 s18, $0x3;
	s19 =	sshrl.u32 s15, $0x3  }
0x12: {  	s5 =	sadd.s32 $0xFE00, s6;
	s6 =	sadd.s32 $0x5E00, s6;
	s14 =	sadd.s32 s17, s20  }
0x13: {  	s15 =	sadd.s32 s17, s16;
	s16 =	sadd.s32 s17, s18;
	s17 =	sadd.s32 s17, s19  }
0x14: {  	v0 =	vimm.f32 $0.0e+00;
	s18 =	simm.s32 $0x5000;
	s19 =	simm.s32 $0x2;
	s20 =	simm.s32 $0x2800  }
.LBB2_1:
0x15: {  	s24 =	simm.s32 $0x0;
	s25 =	simm.s32 $0x200  }
.LBB2_2:
0x16: {  	p0 =	sne.s32 s25, $0xFE00;
	[tilespmem:s24+$0x5070] =	vst v0  }
0x17: {  	[tilespmem:s24+$0x5000] =	vst v0  }
0x18: {  	[tilespmem:s24+$0x5010] =	vst v0  }
.Ltmp0:
0x19: {  	[tilespmem:s24+$0x5020] =	vst v0;
	(pc) =	sbr.rel @p0 .LBB2_2-.Ltmp0, $4  }
0x1a: {  	[tilespmem:s24+$0x5030] =	vst v0  }
0x1b: {  	[tilespmem:s24+$0x5040] =	vst v0  }
0x1c: {  	[tilespmem:s24+$0x5050] =	vst v0  }
0x1d: {  	[tilespmem:s24+$0x5060] =	vst v0;
	s24 =	sshra.s32 s25, $0x2;
	s25 =	sadd.s32 $0x200, s25  }
0x1e: {  	[tilespmem:s24+$0x5070] =	vst v0  }
0x1f: {  	[tilespmem:s24+$0x5000] =	vst v0  }
0x20: {  	[tilespmem:s24+$0x5010] =	vst v0  }
0x21: {  	[tilespmem:s24+$0x5020] =	vst v0  }
0x22: {  	[tilespmem:s24+$0x5030] =	vst v0  }
0x23: {  	[tilespmem:s24+$0x5040] =	vst v0  }
0x24: {  	[tilespmem:s24+$0x5050] =	vst v0  }
0x25: {  	[tilespmem:s24+$0x5060] =	vst v0  }
0x26: {  	[spmem:s7] =	stream.linear.scatter [tilespmem:s18], [sflag:$0x2], $0x4000, $0x38;
	[tilespmem:$0x1D000] =	vst v63  }
0x27: {  	_ =	swait.ge [sflag:s19], $0x4000  }
0x28: {  	[sflag:s19] =	ssyncset.done $0x0  }
0x29: {  	[sflag:s19] =	ssyncadd.s32 $0xFFFFC000  }
0x2a: {  	[spmem:s9] =	stream.linear.scatter [tilespmem:s18], [sflag:$0x2], $0x4000, $0x38;
	[tilespmem:$0x1D000] =	vst v63  }
0x2b: {  	_ =	swait.ge [sflag:s19], $0x4000  }
0x2c: {  	[sflag:s19] =	ssyncset.done $0x0  }
0x2d: {  	[sflag:s19] =	ssyncadd.s32 $0xFFFFC000  }
0x2e: {  	[spmem:s10] =	stream.linear.scatter [tilespmem:s18], [sflag:$0x2], $0x4000, $0x38;
	[tilespmem:$0x1D000] =	vst v63  }
0x2f: {  	_ =	swait.ge [sflag:s19], $0x4000  }
0x30: {  	[sflag:s19] =	ssyncset.done $0x0  }
0x31: {  	[sflag:s19] =	ssyncadd.s32 $0xFFFFC000  }
0x32: {  	[spmem:s11] =	stream.linear.scatter [tilespmem:s18], [sflag:$0x2], $0x4000, $0x38;
	[tilespmem:$0x1D000] =	vst v63  }
0x33: {  	_ =	swait.ge [sflag:s19], $0x4000  }
0x34: {  	[sflag:s19] =	ssyncset.done $0x0  }
0x35: {  	[sflag:s19] =	ssyncadd.s32 $0xFFFFC000  }
0x36: {  	[spmem:s12] =	stream.linear.scatter [tilespmem:s18], [sflag:$0x2], $0x4000, $0x38;
	[tilespmem:$0x1D000] =	vst v63  }
0x37: {  	_ =	swait.ge [sflag:s19], $0x4000  }
0x38: {  	[sflag:s19] =	ssyncset.done $0x0  }
0x39: {  	s29 =	simm.s32 $0x0;
	[sflag:s19] =	ssyncadd.s32 $0xFFFFC000  }
0x3a: {  	[tilespmem:s29], [sflag:$0x2] =	stream.linear.gather [hbm4b:s5+s29], $0x2780, $0x38;
	[tilespmem:$0x1D000] =	vst v63  }
0x3b: {  	_ =	swait.ge [sflag:s19], $0x2780  }
0x3c: {  	[sflag:s19] =	ssyncset.done $0x0  }
0x3d: {  	[sflag:s19] =	ssyncadd.s32 $0xFFFFD880  }
0x3e: {  	[tilespmem:s20], [sflag:$0x2] =	stream.linear.gather [hbm4b:s6+s29], $0x2780, $0x38;
	[tilespmem:$0x1D000] =	vst v63  }
0x3f: {  	_ =	swait.ge [sflag:s19], $0x2780  }
0x40: {  	[sflag:s19] =	ssyncset.done $0x0  }
0x41: {  	[sflag:s19] =	ssyncadd.s32 $0xFFFFD880  }
0x42: {  	s30 =	simm.s32 $0x0;
	[bflag:$0x0] =	sbarrier.arrive $0xFFFF  }
0x43: {  	[tilespmem:s18], [sflag:$0x1] =	stream.indirect.gather [hbm4b:s4+s21], $0x80, s30, s21, $0xb8;
	[tilespmem:$0x1D000] =	vst v63  }
0x44: {  	_ =	swait.ge [sflag:s22], $0x4000  }
0x45: {  	[sflag:s22] =	ssyncset.done $0x0  }
0x46: {  	s31 =	simm.s32 $0x2800;
	[sflag:s22] =	ssyncadd.s32 $0xFFFFC000  }
0x47: {  	[spmem:s1] =	stream.indirect.scatter.add.f32 [tilespmem:s18], [sflag:$0x2], $0x80, s31, s21, $0xb8;
	[tilespmem:$0x1D000] =	vst v63  }
0x48: {  	_ =	swait.ge [sflag:s19], $0x4000  }
0x49: {  	s24 =	simm.s32 $0x200;
	s25 =	simm.s32 $0x400;
	[sflag:s19] =	ssyncset.done $0x0  }
.LBB2_4:
0x4a: {  	s26 =	sshra.s32 s24, $0x2  }
0x4b: {  	[sflag:s19] =	ssyncadd.s32 $0xFFFFC000;
	s24 =	smov.u32 s25;
	s28 =	sadd.s32 $0x200, s25  }
0x4c: {  	[tilespmem:s18], [sflag:$0x1] =	stream.indirect.gather [hbm4b:s4+s21], $0x80, s26, s21, $0xb8;
	[tilespmem:$0x1D000] =	vst v63  }
0x4d: {  	p0 =	sne.s32 s25, $0x9C00;
	_ =	swait.ge [sflag:s22], $0x4000  }
.Ltmp1:
0x4e: {  	[sflag:s22] =	ssyncset.done $0x0;
	(pc) =	sbr.rel @p0 .LBB2_4-.Ltmp1, $4  }
0x4f: {  	s25 =	sadd.s32 $0x2800, s26;
	[sflag:s22] =	ssyncadd.s32 $0xFFFFC000  }
0x50: {  	[spmem:s1] =	stream.indirect.scatter.add.f32 [tilespmem:s18], [sflag:$0x2], $0x80, s25, s21, $0xb8;
	[tilespmem:$0x1D000] =	vst v63  }
0x51: {  	_ =	swait.ge [sflag:s19], $0x4000  }
0x52: {  	s25 =	smov.u32 s28;
	[sflag:s19] =	ssyncset.done $0x0  }
0x53: {  	s24 =	sshra.s32 s24, $0x2;
	[sflag:s19] =	ssyncadd.s32 $0xFFFFC000  }
0x54: {  	[tilespmem:s18], [sflag:$0x1] =	stream.indirect.gather [hbm4b:s4+s21], $0x80, s24, s21, $0xb8;
	[tilespmem:$0x1D000] =	vst v63  }
0x55: {  	_ =	swait.ge [sflag:s22], $0x4000  }
0x56: {  	[sflag:s22] =	ssyncset.done $0x0  }
0x57: {  	s24 =	sadd.s32 $0x2800, s24;
	[sflag:s22] =	ssyncadd.s32 $0xFFFFC000  }
0x58: {  	[spmem:s1] =	stream.indirect.scatter.add.f32 [tilespmem:s18], [sflag:$0x2], $0x80, s24, s21, $0xb8;
	[tilespmem:$0x1D000] =	vst v63  }
0x59: {  	_ =	swait.ge [sflag:s19], $0x4000  }
0x5a: {  	[sflag:s19] =	ssyncset.done $0x0  }
0x5b: {  	[sflag:s19] =	ssyncadd.s32 $0xFFFFC000  }
0x5c: {  	[bflag:$0x0] =	sbarrier.arrive $0xFFFF  }
0x5d: {  	[tilespmem:s18], [sflag:$0x2] =	stream.linear.gather [spmem:s7], $0x4000, $0x38;
	[tilespmem:$0x1D000] =	vst v63  }
0x5e: {  	_ =	swait.ge [sflag:s19], $0x4000  }
0x5f: {  	[sflag:s19] =	ssyncset.done $0x0  }
0x60: {  	[sflag:s19] =	ssyncadd.s32 $0xFFFFC000  }
0x61: {  	[hbm4b:s13+s3] =	stream.linear.scatter [tilespmem:s18], [sflag:$0x2], $0x4000, $0x38;
	[tilespmem:$0x1D000] =	vst v63  }
0x62: {  	_ =	swait.ge [sflag:s19], $0x4000  }
0x63: {  	[sflag:s19] =	ssyncset.done $0x0  }
0x64: {  	[sflag:s19] =	ssyncadd.s32 $0xFFFFC000  }
0x65: {  	[tilespmem:s18], [sflag:$0x2] =	stream.linear.gather [spmem:s9], $0x4000, $0x38;
	[tilespmem:$0x1D000] =	vst v63  }
0x66: {  	_ =	swait.ge [sflag:s19], $0x4000  }
0x67: {  	[sflag:s19] =	ssyncset.done $0x0  }
0x68: {  	[sflag:s19] =	ssyncadd.s32 $0xFFFFC000  }
0x69: {  	[hbm4b:s14+s3] =	stream.linear.scatter [tilespmem:s18], [sflag:$0x2], $0x4000, $0x38;
	[tilespmem:$0x1D000] =	vst v63  }
0x6a: {  	_ =	swait.ge [sflag:s19], $0x4000  }
0x6b: {  	[sflag:s19] =	ssyncset.done $0x0  }
0x6c: {  	[sflag:s19] =	ssyncadd.s32 $0xFFFFC000  }
0x6d: {  	[tilespmem:s18], [sflag:$0x2] =	stream.linear.gather [spmem:s10], $0x4000, $0x38;
	[tilespmem:$0x1D000] =	vst v63  }
0x6e: {  	_ =	swait.ge [sflag:s19], $0x4000  }
0x6f: {  	[sflag:s19] =	ssyncset.done $0x0  }
0x70: {  	[sflag:s19] =	ssyncadd.s32 $0xFFFFC000  }
0x71: {  	[hbm4b:s15+s3] =	stream.linear.scatter [tilespmem:s18], [sflag:$0x2], $0x4000, $0x38;
	[tilespmem:$0x1D000] =	vst v63  }
0x72: {  	_ =	swait.ge [sflag:s19], $0x4000  }
0x73: {  	[sflag:s19] =	ssyncset.done $0x0  }
0x74: {  	[sflag:s19] =	ssyncadd.s32 $0xFFFFC000  }
0x75: {  	[tilespmem:s18], [sflag:$0x2] =	stream.linear.gather [spmem:s11], $0x4000, $0x38;
	[tilespmem:$0x1D000] =	vst v63  }
0x76: {  	_ =	swait.ge [sflag:s19], $0x4000  }
0x77: {  	[sflag:s19] =	ssyncset.done $0x0  }
0x78: {  	[sflag:s19] =	ssyncadd.s32 $0xFFFFC000  }
0x79: {  	[hbm4b:s16+s3] =	stream.linear.scatter [tilespmem:s18], [sflag:$0x2], $0x4000, $0x38;
	[tilespmem:$0x1D000] =	vst v63  }
0x7a: {  	_ =	swait.ge [sflag:s19], $0x4000  }
0x7b: {  	[sflag:s19] =	ssyncset.done $0x0  }
0x7c: {  	[sflag:s19] =	ssyncadd.s32 $0xFFFFC000  }
0x7d: {  	[tilespmem:s18], [sflag:$0x2] =	stream.linear.gather [spmem:s12], $0x4000, $0x38;
	[tilespmem:$0x1D000] =	vst v63  }
0x7e: {  	s23 =	sadd.s32 $0x1, s23;
	_ =	swait.ge [sflag:s19], $0x4000  }
0x7f: {  	p0 =	sne.s32 s23, s8;
	[sflag:s19] =	ssyncset.done $0x0  }
.Ltmp2:
0x80: {  	[sflag:s19] =	ssyncadd.s32 $0xFFFFC000;
	(pc) =	sbr.rel @p0 .LBB2_1-.Ltmp2, $4  }
0x81: {  	[hbm4b:s17+s3] =	stream.linear.scatter [tilespmem:s18], [sflag:$0x2], $0x4000, $0x38;
	[tilespmem:$0x1D000] =	vst v63  }
0x82: {  	_ =	swait.ge [sflag:s19], $0x4000  }
0x83: {  	[sflag:s19] =	ssyncset.done $0x0  }
0x84: {  	[sflag:s19] =	ssyncadd.s32 $0xFFFFC000  }
0x85: {  	_ =	sfence.sel $0x180000  }
0x86: {  	[bflag:$0x0] =	sbarrier.arrive $0xFFFF  }
0x87: {  	p0 =	sne.s32 s2, $0x0;
	_ =	strace $0x9000004A  }
0x88: {  	s0 =	sadd.s32 @!p0 $0x100000, s0;
	[bflag:$0x2] =	sbarrier.arrive $0xFFFF  }
0x89: {  	[sflag:s0] =	ssyncadd.tile.s32 @!p0 $0x1;
	_ =	shalt  }
.Lfunc_end2:
_tile_overlayer_lowered:
.L_overlay_start_2:
0x8a: {  	(tag) =	ssettag $0x2  }
0x8b: {  	s0 =	rddreg [dreg:$0x0];
	s2 =	stileid.u32  }
0x8c: {  	s1 =	rddreg [dreg:$0x1];
	p0 =	sne.s32 s2, $0x0  }
0x8d: {  	s3 =	rddreg [dreg:$0x2];
	[bflag:$0x3] =	sbarrier.arrive $0xFFFF;
	s2 =	simm.s32 @!p0 $0x1C02  }
0x8e: {  	[timem:s3], [sflag:s2] =	dma.local @!p0 [hbm:s0], s1  }
0x8f: {  	s0 =	simm.s32 @!p0 $0x2  }
0x90: {  	_ =	swait.ge @!p0 [sflag:s0], s1  }
0x91: {  	s1 =	ssub.s32 @!p0 $0x0, s1;
	[sflag:s0] =	ssyncset.done @!p0 $0x0  }
0x92: {  	[sflag:s0] =	ssyncadd.s32 @!p0 s1  }
0x93: {  	[bflag:$0x3] =	sbarrier.arrive $0xFFFF  }
0x94: {  	_ =	shalt  }

// kernel: kernel.7.cloned.1.call-start
scs
__scs_entry_jumppad:
0x0: {  	(pc) =	sbr.rel $0x88, $3  }
0x1: {  	(tag) =	ssettag $0x0;
	lr =	simm.s32 $0x1  }
0x2: {  	[smem:$0x3F73] =	sst lr;
	_ =	strace $0xD0000000  }
0x3: {  	_ = 	snop  }
0x4: {  	_ = 	snop  }
0x5: {  	_ = 	snop  }
0x6: {  	_ = 	snop  }
0x7: {  	_ = 	snop  }
__scs_overlays_trampoline_lowered:
0x8: {  	[smem:$0x3F82] =	sst s0  }
0x9: {  	[smem:$0x3F83] =	sst s1  }
0xa: {  	[smem:$0x3F84] =	sst s2  }
0xb: {  	[smem:$0x3F85] =	sst s3  }
0xc: {  	[smem:$0x3F86] =	sst s4  }
0xd: {  	[smem:$0x3F87] =	sst s5  }
0xe: {  	[smem:$0x3F88] =	sst s6  }
0xf: {  	[smem:$0x3F89] =	sst s7  }
0x10: {  	[smem:$0x3F8A] =	sst s8  }
0x11: {  	[smem:$0x3F8B] =	sst s9;
	s0 =	simm.s32 @!p0 $0x0  }
0x12: {  	s1 =	sld [smem:$0x3F71];
	s0 =	simm.s32 @p0 $0x1  }
0x13: {  	[smem:$0x3F8C] =	sst s0;
	s0 =	simm.s32 @!p1 $0x0  }
0x14: {  	s2 =	sld [smem:$0x3F70];
	s0 =	simm.s32 @p1 $0x1  }
0x15: {  	[smem:$0x3F8D] =	sst s0;
	s0 =	simm.s32 @!p2 $0x0  }
0x16: {  	s3 =	sld [smem:$0x3FDB];
	s0 =	simm.s32 @p2 $0x1  }
0x17: {  	s4 =	simm.s32 $0x1BF5;
	[smem:$0x3F8F] =	sst s0  }
0x18: {  	s0 =	sld [smem:$0x3F72];
	_ =	swait.ge [sflag:s4], $0x0  }
0x19: {  	s7 =	sld [smem:$0x3F73]  }
0x1a: {  	s8 =	sadd.s32 $0xFFFFE003, lr  }
0x1b: {  	s9 =	sadd.s32 $0xFFFFFEF7, lr;
	s5 =	simm.s32 $0xFFFFFFFF;
	p2 =	slt.u32 s8, $0xFFFFF086  }
0x1c: {  	p1 =	slt.u32 s9, $0xF7A;
	s5 =	simm.s32 @!p2 $0x0  }
0x1d: {  	s5 =	simm.s32 @p1 $0x1;
	p0 =	seq.s32 s7, s2  }
0x1e: {  	s7 =	smul.u32 @!p0 $0xF7A, s2;
	p2 =	seq.s32 @!p0 s5, $0x0  }
0x1f: {  	s9 =	smul.u32 $0xF7A, s1;
	s8 =	simm.s32 @!p0 $0x1BF5;
	p2 =	por !p2, p0  }
0x20: {  	[sflag:s8] =	ssyncset.s32 @!p0 $0xFFFFF086;
	s6 =	sadd.s32 @!p0 s3, s7;
	s7 =	simm.s32 @!p0 $0x108  }
0x21: {  	s3 =	sadd.s32 s3, s9;
	s6 =	sadd.s32 @!p0 $0x88, s6;
	s7 =	simm.s32 @p2 $0x1082  }
0x22: {  	[simem:s7], [sflag:s8] =	dma.local @!p0 [hbm:s6], $0xF7A  }
0x23: {  	s9 =	sor.u32 $0xD0000000, s2;
	s6 =	simm.s32 $0x108;
	_ =	swait.ge @!p0 [sflag:s8], $0x0  }
0x24: {  	s3 =	sadd.s32 $0x88, s3;
	s6 =	simm.s32 @!p1 $0x1082;
	[sflag:s4] =	ssyncset.s32 $0xFFFFF086  }
0x25: {  	[simem:s6], [sflag:s4] =	dma.local [hbm:s3], $0xF7A  }
0x26: {  	[smem:$0x3F73] =	sst s1;
	(tag) =	ssettag s2;
	_ =	strace s9  }
0x27: {  	s1 =	sld [smem:$0x3F83]  }
0x28: {  	s2 =	sld [smem:$0x3F84]  }
0x29: {  	s4 =	sld [smem:$0x3F86]  }
0x2a: {  	p0 =	seq.s32 s5, $0x0;
	s5 =	sld [smem:$0x3F87]  }
0x2b: {  	s6 =	sld [smem:$0x3F88]  }
0x2c: {  	s7 =	sld [smem:$0x3F89]  }
0x2d: {  	s3 =	simm.s32 $0x108;
	s8 =	sld [smem:$0x3F8A]  }
0x2e: {  	s3 =	simm.s32 @!p0 $0x1082;
	s9 =	sld [smem:$0x3F8B]  }
0x2f: {  	lr =	sadd.s32 s0, s3;
	s0 =	sld [smem:$0x3F82]  }
0x30: {  	s3 =	sld [smem:$0x3F85]  }
0x31: {  	[smem:$0x3F8E] =	sst s10  }
0x32: {  	s10 =	sld [smem:$0x3F8C];
	_ =	sdelay $0x3  }
0x33: {  	p0 =	seq.s32 s10, $0x1;
	s10 =	sld [smem:$0x3F8E];
	_ =	sdelay $0x3  }
0x34: {  	[smem:$0x3F8E] =	sst s10  }
0x35: {  	s10 =	sld [smem:$0x3F8D];
	_ =	sdelay $0x3  }
0x36: {  	p1 =	seq.s32 s10, $0x1;
	s10 =	sld [smem:$0x3F8E];
	_ =	sdelay $0x3  }
0x37: {  	[smem:$0x3F8E] =	sst s10  }
0x38: {  	s10 =	sld [smem:$0x3F8F]  }
0x39: {  	_ = 	snop;
	(pc) =	sbr.ind lr, $3  }
0x3a: {  	_ = 	snop  }
0x3b: {  	_ = 	snop  }
0x3c: {  	p2 =	seq.s32 s10, $0x1;
	s10 =	sld [smem:$0x3F8E]  }
0x3d: {  	_ =	shalt  }
0x3e: {  	_ =	shalt  }
0x3f: {  	_ =	shalt  }
0x40: {  	_ =	shalt  }
0x41: {  	_ =	shalt  }
0x42: {  	_ =	shalt  }
0x43: {  	_ =	shalt  }
0x44: {  	_ =	shalt  }
0x45: {  	_ =	shalt  }
0x46: {  	_ =	shalt  }
0x47: {  	_ =	shalt  }
0x48: {  	_ =	shalt  }
0x49: {  	_ =	shalt  }
0x4a: {  	_ =	shalt  }
0x4b: {  	_ =	shalt  }
0x4c: {  	_ =	shalt  }
0x4d: {  	_ =	shalt  }
0x4e: {  	_ =	shalt  }
0x4f: {  	_ =	shalt  }
0x50: {  	_ =	shalt  }
0x51: {  	_ =	shalt  }
0x52: {  	_ =	shalt  }
0x53: {  	_ =	shalt  }
0x54: {  	_ =	shalt  }
0x55: {  	_ =	shalt  }
0x56: {  	_ =	shalt  }
0x57: {  	_ =	shalt  }
0x58: {  	_ =	shalt  }
0x59: {  	_ =	shalt  }
0x5a: {  	_ =	shalt  }
0x5b: {  	_ =	shalt  }
0x5c: {  	_ =	shalt  }
0x5d: {  	_ =	shalt  }
0x5e: {  	_ =	shalt  }
0x5f: {  	_ =	shalt  }
0x60: {  	_ =	shalt  }
0x61: {  	_ =	shalt  }
0x62: {  	_ =	shalt  }
0x63: {  	_ =	shalt  }
0x64: {  	_ =	shalt  }
0x65: {  	_ =	shalt  }
0x66: {  	_ =	shalt  }
0x67: {  	_ =	shalt  }
0x68: {  	_ =	shalt  }
0x69: {  	_ =	shalt  }
0x6a: {  	_ =	shalt  }
0x6b: {  	_ =	shalt  }
0x6c: {  	_ =	shalt  }
0x6d: {  	_ =	shalt  }
0x6e: {  	_ =	shalt  }
0x6f: {  	_ =	shalt  }
0x70: {  	_ =	shalt  }
0x71: {  	_ =	shalt  }
0x72: {  	_ =	shalt  }
0x73: {  	_ =	shalt  }
0x74: {  	_ =	shalt  }
0x75: {  	_ =	shalt  }
0x76: {  	_ =	shalt  }
0x77: {  	_ =	shalt  }
0x78: {  	_ =	shalt  }
0x79: {  	_ =	shalt  }
0x7a: {  	_ =	shalt  }
0x7b: {  	_ =	shalt  }
0x7c: {  	_ =	shalt  }
0x7d: {  	_ =	shalt  }
0x7e: {  	_ =	shalt  }
0x7f: {  	_ =	shalt  }
0x80: {  	_ =	shalt  }
0x81: {  	_ =	shalt  }
0x82: {  	_ =	shalt  }
0x83: {  	_ =	shalt  }
0x84: {  	_ =	shalt  }
0x85: {  	_ =	shalt  }
0x86: {  	_ =	shalt  }
0x87: {  	_ =	shalt  }
.Lfunc_end0:
.L_simem_size_0:
called_computation_lowered:
.L_overlay_start_0:
0x88: {  	s2 =	sld [smem:$0x3FD9]  }
0x89: {  	s3 =	sld [smem:$0x3FFE];
	_ =	sdelay $0x1  }
0x8a: {  	s1 =	srdreg.scid  }
0x8b: {  	s0 =	sand.u32 $0x1, s1  }
0x8c: {  	s17 =	sshll.u32 s0, $0xA;
	s2 =	sadd.s32 s3, s2  }
0x8d: {  	s2 =	sadd.s32 s2, s17  }
0x8e: {  	[smem:$0x3F9A] =	sst s2  }
0x8f: {  	_ = 	snop  }
0x90: {  	s2 =	sld [smem:$0x3FC9];
	(tm) =	ssettm $0x1  }
0x91: {  	s18 =	sld [smem:$0x3FFB];
	_ =	sdelay $0x3  }
0x92: {  	_ =	strace s18  }
0x93: {  	s3 =	sld [smem:$0x3FFC];
	_ =	sdelay $0x3  }
0x94: {  	_ =	strace s3  }
0x95: {  	s3 =	sld [smem:$0x3FFD];
	_ =	sdelay $0x3  }
0x96: {  	_ =	strace s3  }
0x97: {  	_ =	strace $0x8FFFFFFF  }
0x98: {  	s19 =	sld [smem:$0x3FDB];
	_ =	sdelay $0x1  }
0x99: {  	s4 =	simm.s32 $_scs_section_size  }
0x9a: {  	s5 =	simm.s32 $_size__tile_overlayer_lowered;
	s6 =	simm.s32 $_tile_overlayer_lowered  }
0x9b: {  	s22 =	simm.s32 $0x1BFF;
	s21 =	sshll.u32 s6, $0x1;
	s3 =	sadd.s32 s4, s19  }
0x9c: {  	s7 =	simm.s32 $0x0;
	s20 =	sshll.u32 s5, $0x1;
	s5 =	sadd.s32 s21, s3  }
0x9d: {  	[timem:s7], [sflag:s22] =	dma.local [hbm:s5], s20  }
0x9e: {  	_ =	swait.ge [sflag:s22], s20  }
0x9f: {  	s4 =	ssub.s32 $0x0, s20;
	[sflag:s22] =	ssyncset.done $0x0  }
0xa0: {  	[sflag:s22] =	ssyncadd.s32 s4;
	_ =	sdelay $0x1  }
0xa1: {  	s23 =	simm.s32 $0x1B8B  }
0xa2: {  	_ =	swait.ge [sflag:s23], $0x1  }
0xa3: {  	[sflag:s23] =	ssyncset.done $0x0  }
0xa4: {  	s25 =	simm.s32 $0x1B8E;
	s24 =	sld [smem:$0x3FFE];
	[sflag:s23] =	ssyncadd.s32 $0xFFFFFFFF  }
0xa5: {  	s26 =	simm.s32 $execute0_lowered;
	[smem:$0x3FD2] =	sst s25  }
0xa6: {  	s5 =	sshll.u32 s26, $0x1;
	_ =	strace $0x80000046;
	[dreg:$0x1] =	wrdreg $0xFFFFFFFF  }
0xa7: {  	s28 =	simm.s32 $_size_execute0_lowered;
	s3 =	sadd.s32 s3, s5;
	[dreg:$0x0] =	wrdreg $0x0  }
0xa8: {  	s5 =	sshll.u32 s28, $0x1;
	[dreg:$0x2] =	wrdreg s3  }
0xa9: {  	[dreg:$0x3] =	wrdreg s5  }
0xaa: {  	[dreg:$0x4] =	wrdreg $0xC0  }
0xab: {  	_ =	task [dreg:s7], $0x5FFFF  }
0xac: {  	[dreg:$0x1] =	wrdreg $0xFFFFFFFF  }
0xad: {  	[dreg:$0x0] =	wrdreg $0x60  }
0xae: {  	[dreg:$0x2] =	wrdreg s2  }
0xaf: {  	[dreg:$0x3] =	wrdreg s24  }
0xb0: {  	[dreg:$0x4] =	wrdreg $0x90000  }
0xb1: {  	[dreg:$0x5] =	wrdreg $0x9  }
0xb2: {  	_ =	task.clear_ibuf [dreg:s7], $0x6FFFF;
	_ =	strace $0x90000046  }
0xb3: {  	s29 =	simm.s32 $0x9;
	_ =	strace $0x80000048  }
0xb4: {  	_ =	swait.ge [sflag:s29], $0x1  }
0xb5: {  	[sflag:s29] =	ssyncadd.s32 $0xFFFFFFFF  }
0xb6: {  	_ =	strace $0x90000048  }
0xb7: {  	_ =	sfence  }
0xb8: {  	s30 =	sld [smem:$0x0];
	_ =	sdelay $0x2  }
0xb9: {  	s31 =	sshll.u32 s1, $0xD;
	s1 =	sshrl.u32 s1, $0x2  }
0xba: {  	s3 =	sand.u32 $0x4000, s31;
	s1 =	sadd.s32 s1, s30  }
0xbb: {  	s0 =	sor.u32 s3, s0;
	s1 =	sshll.u32 s1, $0x11  }
0xbc: {  	s0 =	sor.u32 s1, s0  }
0xbd: {  	s0 =	sadd.s32 $0x8F2B, s0  }
0xbe: {  	[sflag:s0] =	ssyncadd.remote.s32 $0x1  }
0xbf: {  	_ =	sfence.sel $0xFFFF  }
0xc0: {  	[dreg:$0x0] =	wrdreg $0xFFFFFFFF;
	(pc) =	sbr.abs _section_cstart, $3  }
0xc1: {  	[dreg:$0x1] =	wrdreg $0xFFFFFFFF  }
0xc2: {  	_ =	task.clear_ibuf [dreg:s7], $0x2FFFF;
	_ =	strace $0x9FFFFFFF  }
0xc3: {  	(tm) =	ssettm $0x7FFFFFFF  }
tec
execute0_lowered:
.L_overlay_start_1:
0x0: {  	(tag) =	ssettag $0x1  }
0x1: {  	s0 =	rddreg [dreg:$0x0]  }
0x2: {  	s5 =	rddreg [dreg:$0x1]  }
0x3: {  	s1 =	srdreg.scid;
	s3 =	rddreg [dreg:$0x2]  }
0x4: {  	s2 =	stileid.u32;
	s4 =	simm.s32 $0x0;
	s21 =	simm.s32 $0x80  }
0x5: {  	s22 =	simm.s32 $0x1;
	s7 =	sand.u32 $0x1, s1;
	s1 =	rddreg [dreg:$0x3]  }
0x6: {  	s23 =	simm.s32 $0x0;
	[smem:$0x7FF] =	sst s4;
	s10 =	smul.u32 $0x50000, s2  }
0x7: {  	s17 =	sadd.s32 $0x19E00, s5;
	s12 =	smul.u32 $0x14000, s2;
	s6 =	sshll.u32 s7, $0x4  }
0x8: {  	s8 =	ssub.s32 $0x2, s7;
	_ =	strace $0x80000047;
	s15 =	smul.u32 $0x140000, s7  }
0x9: {  	s6 =	sor.u32 s2, s6;
	s9 =	sshrl.u32 s8, $0x1;
	s31 =	sshrl.u32 s10, $0x2  }
0xa: {  	s13 =	sadd.s32 $0x4000, s12;
	s16 =	sadd.s32 $0x8000, s12;
	s18 =	sadd.s32 $0xC000, s12  }
0xb: {  	s19 =	sadd.s32 $0x10000, s12;
	s6 =	smul.u32 $0x500, s6;
	s8 =	ssub.s32 s8, s9  }
0xc: {  	s7 =	sadd.s32 s31, s3;
	s9 =	sadd.s32 s13, s3;
	s10 =	sadd.s32 s16, s3  }
0xd: {  	s11 =	sadd.s32 s18, s3;
	s14 =	sadd.s32 s15, s12;
	s13 =	sadd.s32 s15, s13  }
0xe: {  	s12 =	sadd.s32 s19, s3;
	s16 =	sadd.s32 s15, s16;
	s18 =	sadd.s32 s15, s18  }
0xf: {  	s15 =	sadd.s32 s15, s19;
	s8 =	smax.u32 s8, $0x1;
	s14 =	sshrl.u32 s14, $0x3  }
0x10: {  	s20 =	sshrl.u32 s13, $0x3;
	s16 =	sshrl.u32 s16, $0x3;
	s18 =	sshrl.u32 s18, $0x3  }
0x11: {  	s19 =	sshrl.u32 s15, $0x3;
	s6 =	sadd.s32 s6, s5;
	s13 =	sadd.s32 s17, s14  }
0x12: {  	s14 =	sadd.s32 s17, s20;
	s15 =	sadd.s32 s17, s16;
	s16 =	sadd.s32 s17, s18  }
0x13: {  	s17 =	sadd.s32 s17, s19;
	s18 =	simm.s32 $0x5000;
	s19 =	simm.s32 $0x2  }
0x14: {  	v0 =	vimm.f32 $0.0e+00;
	s20 =	simm.s32 $0x2800;
	s5 =	sadd.s32 $0xFE00, s6;
	s6 =	sadd.s32 $0x5E00, s6  }
.LBB2_1:
0x15: {  	s24 =	simm.s32 $0x0;
	s25 =	simm.s32 $0x200  }
.LBB2_2:
0x16: {  	p0 =	sne.s32 s25, $0xFE00;
	[tilespmem:s24+$0x5070] =	vst v0  }
0x17: {  	[tilespmem:s24+$0x5000] =	vst v0  }
0x18: {  	[tilespmem:s24+$0x5010] =	vst v0  }
.Ltmp0:
0x19: {  	[tilespmem:s24+$0x5020] =	vst v0;
	(pc) =	sbr.rel @p0 .LBB2_2-.Ltmp0, $4  }
0x1a: {  	[tilespmem:s24+$0x5030] =	vst v0  }
0x1b: {  	[tilespmem:s24+$0x5040] =	vst v0  }
0x1c: {  	[tilespmem:s24+$0x5050] =	vst v0  }
0x1d: {  	[tilespmem:s24+$0x5060] =	vst v0;
	s24 =	sshra.s32 s25, $0x2;
	s25 =	sadd.s32 $0x200, s25  }
0x1e: {  	[tilespmem:s24+$0x5070] =	vst v0  }
0x1f: {  	[tilespmem:s24+$0x5000] =	vst v0  }
0x20: {  	[tilespmem:s24+$0x5010] =	vst v0  }
0x21: {  	[tilespmem:s24+$0x5020] =	vst v0  }
0x22: {  	[tilespmem:s24+$0x5030] =	vst v0  }
0x23: {  	[tilespmem:s24+$0x5040] =	vst v0  }
0x24: {  	[tilespmem:s24+$0x5050] =	vst v0  }
0x25: {  	[tilespmem:s24+$0x5060] =	vst v0  }
0x26: {  	[spmem:s7] =	stream.linear.scatter [tilespmem:s18], [sflag:$0x2], $0x4000, $0x38;
	[tilespmem:$0x1D000] =	vst v63  }
0x27: {  	_ =	swait.ge [sflag:s19], $0x4000  }
0x28: {  	[sflag:s19] =	ssyncset.done $0x0  }
0x29: {  	[sflag:s19] =	ssyncadd.s32 $0xFFFFC000  }
0x2a: {  	[spmem:s9] =	stream.linear.scatter [tilespmem:s18], [sflag:$0x2], $0x4000, $0x38;
	[tilespmem:$0x1D000] =	vst v63  }
0x2b: {  	_ =	swait.ge [sflag:s19], $0x4000  }
0x2c: {  	[sflag:s19] =	ssyncset.done $0x0  }
0x2d: {  	[sflag:s19] =	ssyncadd.s32 $0xFFFFC000  }
0x2e: {  	[spmem:s10] =	stream.linear.scatter [tilespmem:s18], [sflag:$0x2], $0x4000, $0x38;
	[tilespmem:$0x1D000] =	vst v63  }
0x2f: {  	_ =	swait.ge [sflag:s19], $0x4000  }
0x30: {  	[sflag:s19] =	ssyncset.done $0x0  }
0x31: {  	[sflag:s19] =	ssyncadd.s32 $0xFFFFC000  }
0x32: {  	[spmem:s11] =	stream.linear.scatter [tilespmem:s18], [sflag:$0x2], $0x4000, $0x38;
	[tilespmem:$0x1D000] =	vst v63  }
0x33: {  	_ =	swait.ge [sflag:s19], $0x4000  }
0x34: {  	[sflag:s19] =	ssyncset.done $0x0  }
0x35: {  	[sflag:s19] =	ssyncadd.s32 $0xFFFFC000  }
0x36: {  	[spmem:s12] =	stream.linear.scatter [tilespmem:s18], [sflag:$0x2], $0x4000, $0x38;
	[tilespmem:$0x1D000] =	vst v63  }
0x37: {  	_ =	swait.ge [sflag:s19], $0x4000  }
0x38: {  	[sflag:s19] =	ssyncset.done $0x0  }
0x39: {  	s29 =	simm.s32 $0x0;
	[sflag:s19] =	ssyncadd.s32 $0xFFFFC000  }
0x3a: {  	[tilespmem:s29], [sflag:$0x2] =	stream.linear.gather [hbm4b:s5+s29], $0x2780, $0x38;
	[tilespmem:$0x1D000] =	vst v63  }
0x3b: {  	_ =	swait.ge [sflag:s19], $0x2780  }
0x3c: {  	[sflag:s19] =	ssyncset.done $0x0  }
0x3d: {  	[sflag:s19] =	ssyncadd.s32 $0xFFFFD880  }
0x3e: {  	[tilespmem:s20], [sflag:$0x2] =	stream.linear.gather [hbm4b:s6+s29], $0x2780, $0x38;
	[tilespmem:$0x1D000] =	vst v63  }
0x3f: {  	_ =	swait.ge [sflag:s19], $0x2780  }
0x40: {  	[sflag:s19] =	ssyncset.done $0x0  }
0x41: {  	[sflag:s19] =	ssyncadd.s32 $0xFFFFD880  }
0x42: {  	s30 =	simm.s32 $0x0;
	[bflag:$0x0] =	sbarrier.arrive $0xFFFF  }
0x43: {  	[tilespmem:s18], [sflag:$0x1] =	stream.indirect.gather [hbm4b:s0+s21], $0x80, s30, s21, $0xb8;
	[tilespmem:$0x1D000] =	vst v63  }
0x44: {  	_ =	swait.ge [sflag:s22], $0x4000  }
0x45: {  	[sflag:s22] =	ssyncset.done $0x0  }
0x46: {  	s31 =	simm.s32 $0x2800;
	[sflag:s22] =	ssyncadd.s32 $0xFFFFC000  }
0x47: {  	[spmem:s3] =	stream.indirect.scatter.add.f32 [tilespmem:s18], [sflag:$0x2], $0x80, s31, s21, $0xb8;
	[tilespmem:$0x1D000] =	vst v63  }
0x48: {  	_ =	swait.ge [sflag:s19], $0x4000  }
0x49: {  	s24 =	simm.s32 $0x200;
	s25 =	simm.s32 $0x400;
	[sflag:s19] =	ssyncset.done $0x0  }
.LBB2_4:
0x4a: {  	s26 =	sshra.s32 s24, $0x2  }
0x4b: {  	[sflag:s19] =	ssyncadd.s32 $0xFFFFC000;
	s24 =	smov.u32 s25;
	s28 =	sadd.s32 $0x200, s25  }
0x4c: {  	[tilespmem:s18], [sflag:$0x1] =	stream.indirect.gather [hbm4b:s0+s21], $0x80, s26, s21, $0xb8;
	[tilespmem:$0x1D000] =	vst v63  }
0x4d: {  	p0 =	sne.s32 s25, $0x9C00;
	_ =	swait.ge [sflag:s22], $0x4000  }
.Ltmp1:
0x4e: {  	[sflag:s22] =	ssyncset.done $0x0;
	(pc) =	sbr.rel @p0 .LBB2_4-.Ltmp1, $4  }
0x4f: {  	s25 =	sadd.s32 $0x2800, s26;
	[sflag:s22] =	ssyncadd.s32 $0xFFFFC000  }
0x50: {  	[spmem:s3] =	stream.indirect.scatter.add.f32 [tilespmem:s18], [sflag:$0x2], $0x80, s25, s21, $0xb8;
	[tilespmem:$0x1D000] =	vst v63  }
0x51: {  	_ =	swait.ge [sflag:s19], $0x4000  }
0x52: {  	s25 =	smov.u32 s28;
	[sflag:s19] =	ssyncset.done $0x0  }
0x53: {  	s24 =	sshra.s32 s24, $0x2;
	[sflag:s19] =	ssyncadd.s32 $0xFFFFC000  }
0x54: {  	[tilespmem:s18], [sflag:$0x1] =	stream.indirect.gather [hbm4b:s0+s21], $0x80, s24, s21, $0xb8;
	[tilespmem:$0x1D000] =	vst v63  }
0x55: {  	_ =	swait.ge [sflag:s22], $0x4000  }
0x56: {  	[sflag:s22] =	ssyncset.done $0x0  }
0x57: {  	s24 =	sadd.s32 $0x2800, s24;
	[sflag:s22] =	ssyncadd.s32 $0xFFFFC000  }
0x58: {  	[spmem:s3] =	stream.indirect.scatter.add.f32 [tilespmem:s18], [sflag:$0x2], $0x80, s24, s21, $0xb8;
	[tilespmem:$0x1D000] =	vst v63  }
0x59: {  	_ =	swait.ge [sflag:s19], $0x4000  }
0x5a: {  	[sflag:s19] =	ssyncset.done $0x0  }
0x5b: {  	[sflag:s19] =	ssyncadd.s32 $0xFFFFC000  }
0x5c: {  	[bflag:$0x0] =	sbarrier.arrive $0xFFFF  }
0x5d: {  	[tilespmem:s18], [sflag:$0x2] =	stream.linear.gather [spmem:s7], $0x4000, $0x38;
	[tilespmem:$0x1D000] =	vst v63  }
0x5e: {  	_ =	swait.ge [sflag:s19], $0x4000  }
0x5f: {  	[sflag:s19] =	ssyncset.done $0x0  }
0x60: {  	[sflag:s19] =	ssyncadd.s32 $0xFFFFC000  }
0x61: {  	[hbm4b:s13+s4] =	stream.linear.scatter [tilespmem:s18], [sflag:$0x2], $0x4000, $0x38;
	[tilespmem:$0x1D000] =	vst v63  }
0x62: {  	_ =	swait.ge [sflag:s19], $0x4000  }
0x63: {  	[sflag:s19] =	ssyncset.done $0x0  }
0x64: {  	[sflag:s19] =	ssyncadd.s32 $0xFFFFC000  }
0x65: {  	[tilespmem:s18], [sflag:$0x2] =	stream.linear.gather [spmem:s9], $0x4000, $0x38;
	[tilespmem:$0x1D000] =	vst v63  }
0x66: {  	_ =	swait.ge [sflag:s19], $0x4000  }
0x67: {  	[sflag:s19] =	ssyncset.done $0x0  }
0x68: {  	[sflag:s19] =	ssyncadd.s32 $0xFFFFC000  }
0x69: {  	[hbm4b:s14+s4] =	stream.linear.scatter [tilespmem:s18], [sflag:$0x2], $0x4000, $0x38;
	[tilespmem:$0x1D000] =	vst v63  }
0x6a: {  	_ =	swait.ge [sflag:s19], $0x4000  }
0x6b: {  	[sflag:s19] =	ssyncset.done $0x0  }
0x6c: {  	[sflag:s19] =	ssyncadd.s32 $0xFFFFC000  }
0x6d: {  	[tilespmem:s18], [sflag:$0x2] =	stream.linear.gather [spmem:s10], $0x4000, $0x38;
	[tilespmem:$0x1D000] =	vst v63  }
0x6e: {  	_ =	swait.ge [sflag:s19], $0x4000  }
0x6f: {  	[sflag:s19] =	ssyncset.done $0x0  }
0x70: {  	[sflag:s19] =	ssyncadd.s32 $0xFFFFC000  }
0x71: {  	[hbm4b:s15+s4] =	stream.linear.scatter [tilespmem:s18], [sflag:$0x2], $0x4000, $0x38;
	[tilespmem:$0x1D000] =	vst v63  }
0x72: {  	_ =	swait.ge [sflag:s19], $0x4000  }
0x73: {  	[sflag:s19] =	ssyncset.done $0x0  }
0x74: {  	[sflag:s19] =	ssyncadd.s32 $0xFFFFC000  }
0x75: {  	[tilespmem:s18], [sflag:$0x2] =	stream.linear.gather [spmem:s11], $0x4000, $0x38;
	[tilespmem:$0x1D000] =	vst v63  }
0x76: {  	_ =	swait.ge [sflag:s19], $0x4000  }
0x77: {  	[sflag:s19] =	ssyncset.done $0x0  }
0x78: {  	[sflag:s19] =	ssyncadd.s32 $0xFFFFC000  }
0x79: {  	[hbm4b:s16+s4] =	stream.linear.scatter [tilespmem:s18], [sflag:$0x2], $0x4000, $0x38;
	[tilespmem:$0x1D000] =	vst v63  }
0x7a: {  	_ =	swait.ge [sflag:s19], $0x4000  }
0x7b: {  	[sflag:s19] =	ssyncset.done $0x0  }
0x7c: {  	[sflag:s19] =	ssyncadd.s32 $0xFFFFC000  }
0x7d: {  	[tilespmem:s18], [sflag:$0x2] =	stream.linear.gather [spmem:s12], $0x4000, $0x38;
	[tilespmem:$0x1D000] =	vst v63  }
0x7e: {  	s23 =	sadd.s32 $0x1, s23;
	_ =	swait.ge [sflag:s19], $0x4000  }
0x7f: {  	p0 =	sne.s32 s23, s8;
	[sflag:s19] =	ssyncset.done $0x0  }
.Ltmp2:
0x80: {  	[sflag:s19] =	ssyncadd.s32 $0xFFFFC000;
	(pc) =	sbr.rel @p0 .LBB2_1-.Ltmp2, $4  }
0x81: {  	[hbm4b:s17+s4] =	stream.linear.scatter [tilespmem:s18], [sflag:$0x2], $0x4000, $0x38;
	[tilespmem:$0x1D000] =	vst v63  }
0x82: {  	_ =	swait.ge [sflag:s19], $0x4000  }
0x83: {  	[sflag:s19] =	ssyncset.done $0x0  }
0x84: {  	[sflag:s19] =	ssyncadd.s32 $0xFFFFC000  }
0x85: {  	_ =	sfence.sel $0x180000  }
0x86: {  	[bflag:$0x0] =	sbarrier.arrive $0xFFFF  }
0x87: {  	p0 =	sne.s32 s2, $0x0;
	_ =	strace $0x90000047  }
0x88: {  	s0 =	sadd.s32 @!p0 $0x100000, s1;
	[bflag:$0x2] =	sbarrier.arrive $0xFFFF  }
0x89: {  	[sflag:s0] =	ssyncadd.tile.s32 @!p0 $0x1;
	_ =	shalt  }
.Lfunc_end2:
_tile_overlayer_lowered:
.L_overlay_start_2:
0x8a: {  	(tag) =	ssettag $0x2  }
0x8b: {  	s0 =	rddreg [dreg:$0x0];
	s2 =	stileid.u32  }
0x8c: {  	s1 =	rddreg [dreg:$0x1];
	p0 =	sne.s32 s2, $0x0  }
0x8d: {  	s3 =	rddreg [dreg:$0x2];
	[bflag:$0x3] =	sbarrier.arrive $0xFFFF;
	s2 =	simm.s32 @!p0 $0x1C02  }
0x8e: {  	[timem:s3], [sflag:s2] =	dma.local @!p0 [hbm:s0], s1  }
0x8f: {  	s0 =	simm.s32 @!p0 $0x2  }
0x90: {  	_ =	swait.ge @!p0 [sflag:s0], s1  }
0x91: {  	s1 =	ssub.s32 @!p0 $0x0, s1;
	[sflag:s0] =	ssyncset.done @!p0 $0x0  }
0x92: {  	[sflag:s0] =	ssyncadd.s32 @!p0 s1  }
0x93: {  	[bflag:$0x3] =	sbarrier.arrive $0xFFFF  }
0x94: {  	_ =	shalt  }

</sc_bundles>
